<compile_context>
chip_gen: v7x
topology: tpu7x:2x2x1
jax: 0.10.2.dev20260603
libtpu: 0.0.44.dev20260713+nightly
codegen_flags: <defaults>
</compile_context>

<pallas_src>
import functools

import jax
import jax.numpy as jnp
from jax import lax
from jax.experimental import pallas as pl
from jax.experimental.pallas import tpu as pltpu
from jax.experimental.pallas import tpu_sc as plsc

N_NODES = 10000
D = 256
HALF = 128
NC = 2
NS = 16
CH = 128
NPAD = 10240
ROWS_PER_TILE = NPAD // NS


def _sc_segment_sum(h_split, src3, dst3, n_chunks):
    mesh = plsc.VectorSubcoreMesh(core_axis_name="c", subcore_axis_name="s")

    @functools.partial(
        pl.kernel,
        mesh=mesh,
        out_type=jax.ShapeDtypeStruct((NC, NPAD, HALF), jnp.float32),
        scratch_types=[
            pltpu.VMEM((n_chunks, CH), jnp.int32),
            pltpu.VMEM((n_chunks, CH), jnp.int32),
            pltpu.VMEM((CH, HALF), jnp.float32),
            pltpu.VMEM_SHARED((NPAD, HALF), jnp.float32),
            pltpu.SemaphoreType.DMA,
            pltpu.SemaphoreType.DMA,
        ],
    )
    def agg_kernel(h_hbm, src_hbm, dst_hbm, out_hbm, src_v, dst_v,
                   r0, acc, semg, sems):
        c = lax.axis_index("c")
        s = lax.axis_index("s")
        row0 = s * ROWS_PER_TILE

        zero16 = jnp.zeros((16,), jnp.float32)

        def zrow(r, carry):
            for k in range(HALF // 16):
                r0[r, pl.ds(k * 16, 16)] = zero16
            return carry

        lax.fori_loop(0, CH, zrow, 0)

        def zcp(j, carry):
            pltpu.sync_copy(r0, acc.at[pl.ds(row0 + j * CH, CH)])
            return carry

        lax.fori_loop(0, ROWS_PER_TILE // CH, zcp, 0)
        plsc.subcore_barrier()

        pltpu.sync_copy(src_hbm.at[s], src_v)
        pltpu.sync_copy(dst_hbm.at[s], dst_v)

        table = h_hbm.at[c]

        def step(j, carry):
            pltpu.async_copy(table.at[src_v.at[j]], r0, semg)
            pltpu.make_async_copy(table.at[pl.ds(0, CH)], r0, semg).wait()
            pltpu.async_copy(r0, acc.at[dst_v.at[j]], sems, add=True)
            pltpu.make_async_copy(r0, acc.at[pl.ds(0, CH)], sems).wait()
            return carry

        lax.fori_loop(0, n_chunks, step, 0)
        plsc.subcore_barrier()

        pltpu.sync_copy(acc.at[pl.ds(row0, ROWS_PER_TILE)],
                        out_hbm.at[c].at[pl.ds(row0, ROWS_PER_TILE)])

    return agg_kernel(h_split, src3, dst3)


def _tc_linear(agg_split, W, b, relu, split_out):
    BM = 1024
    wr = W.reshape(NC, HALF, D)
    br = b.reshape(1, D)

    def body(a_ref, w_ref, b_ref, o_ref):
        acc = jnp.dot(a_ref[0], w_ref[0], preferred_element_type=jnp.float32)
        acc = acc + jnp.dot(a_ref[1], w_ref[1], preferred_element_type=jnp.float32)
        acc = acc + b_ref[...]
        if relu:
            acc = jnp.maximum(acc, 0.0)
        if split_out:
            o_ref[0] = acc[:, :HALF]
            o_ref[1] = acc[:, HALF:]
        else:
            o_ref[...] = acc

    if split_out:
        out_shape = jax.ShapeDtypeStruct((NC, NPAD, HALF), jnp.float32)
        o_spec = pl.BlockSpec((NC, BM, HALF), lambda i: (0, i, 0))
    else:
        out_shape = jax.ShapeDtypeStruct((NPAD, D), jnp.float32)
        o_spec = pl.BlockSpec((BM, D), lambda i: (i, 0))

    return pl.pallas_call(
        body,
        grid=(NPAD // BM,),
        in_specs=[
            pl.BlockSpec((NC, BM, HALF), lambda i: (0, i, 0)),
            pl.BlockSpec((NC, HALF, D), lambda i: (0, 0, 0)),
            pl.BlockSpec((1, D), lambda i: (0, 0)),
        ],
        out_specs=o_spec,
        out_shape=out_shape,
    )(agg_split, wr, br)


def kernel(feature, edge_index, W1, b1, W2, b2):
    src = edge_index[0].astype(jnp.int32)
    dst = edge_index[1].astype(jnp.int32)
    E = src.shape[0]
    ept = -(-E // NS)
    n_chunks = -(-ept // CH)
    epad = NS * n_chunks * CH
    src3 = jnp.concatenate(
        [src, jnp.zeros((epad - E,), jnp.int32)]).reshape(NS, n_chunks, CH)
    dst3 = jnp.concatenate(
        [dst, jnp.full((epad - E,), N_NODES, jnp.int32)]).reshape(NS, n_chunks, CH)

    feat_pad = jnp.pad(feature, ((0, NPAD - N_NODES), (0, 0)))
    h_split = feat_pad.reshape(NPAD, NC, HALF).transpose(1, 0, 2)

    agg1 = _sc_segment_sum(h_split, src3, dst3, n_chunks)
    h1 = _tc_linear(agg1, W1, b1, relu=True, split_out=True)
    agg2 = _sc_segment_sum(h1, src3, dst3, n_chunks)
    out = _tc_linear(agg2, W2, b2, relu=False, split_out=False)
    return out[:N_NODES]

# --- scband reference (transcript-rebuilt; emitter-appended) ---
"""Pipeline reference for scband-gcn-12128987643981 (READ-ONLY COPY).

The authoritative reference and input builder live on the scoring server;
editing this copy changes nothing except your own understanding.
"""

import jax, jax.numpy as jnp
import numpy as np

N_NODES = 10000
N_EDGES = 160000
D = 256


def setup_inputs(seed: int = 0) -> dict:
    key = jax.random.key(seed)
    k1, k2, k3, k4, k5, k6 = jax.random.split(key, 6)
    feature = jax.random.normal(k1, (N_NODES, D), dtype=jnp.float32)
    edge_index = jax.random.randint(k2, (2, N_EDGES), 0, N_NODES, dtype=jnp.int64)
    lim = 1.0 / np.sqrt(D)
    W1 = jax.random.uniform(k3, (D, D), minval=-lim, maxval=lim, dtype=jnp.float32)
    b1 = jax.random.uniform(k4, (D,), minval=-lim, maxval=lim, dtype=jnp.float32)
    W2 = jax.random.uniform(k5, (D, D), minval=-lim, maxval=lim, dtype=jnp.float32)
    b2 = jax.random.uniform(k6, (D,), minval=-lim, maxval=lim, dtype=jnp.float32)
    return {"feature": feature, "edge_index": edge_index, "W1": W1, "b1": b1, "W2": W2, "b2": b2}


def _gcn_layer(h, src, dst, W, b, use_relu):
    # gcn_msg: copy_src  -> message = h[src]
    m = jnp.take(h, src, axis=0)
    # gcn_reduce: sum messages at destination nodes
    agg = jax.ops.segment_sum(m, dst, num_segments=N_NODES)
    # NodeApplyModule: linear (+ optional relu)
    out = agg @ W + b
    if use_relu:
        out = jax.nn.relu(out)
    return out


def reference(feature, edge_index, W1, b1, W2, b2):
    src = edge_index[0]
    dst = edge_index[1]
    # layer 1: activation = relu (i + 1 < num_layer)
    h = _gcn_layer(feature, src, dst, W1, b1, True)
    # layer 2: activation = None (last layer)
    h = _gcn_layer(h, src, dst, W2, b2, False)
    return h

if __name__ == "__main__":
    import jax
    _d = setup_inputs()
    print(jax.jit(kernel)(*tuple(_d.values())))

</pallas_src>

<mosaic_0001>
#map = affine_map<(d0, d1) -> (0, 0, 0)>
module attributes {stable_mosaic.version = 14 : i64} {
  func.func @agg_kernel(%arg0: i32, %arg1: i32, %arg2: memref<2x10240x128xf32, #tpu.memory_space<hbm>>, %arg3: memref<16x79x128xi32, #tpu.memory_space<hbm>>, %arg4: memref<16x79x128xi32, #tpu.memory_space<hbm>>, %arg5: memref<2x10240x128xf32, #tpu.memory_space<hbm>>, %arg6: memref<79x128xi32, #tpu.memory_space<vmem>>, %arg7: memref<79x128xi32, #tpu.memory_space<vmem>>, %arg8: memref<128x128xf32, #tpu.memory_space<vmem>>, %arg9: memref<10240x128xf32, #tpu.memory_space<vmem_shared>>, %arg10: memref<!tpu.dma_semaphore, #tpu.memory_space<semaphore_mem>>, %arg11: memref<!tpu.dma_semaphore, #tpu.memory_space<semaphore_mem>>) attributes {dimension_semantics = [#tpu.dimension_semantics<core_parallel>, #tpu.dimension_semantics<subcore_parallel>], iteration_bounds = array<i64: 2, 16>, scalar_prefetch = 0 : i64, scratch_operands = 6 : i64, tpu.core_type = #tpu.core_type<sc_vector_subcore>, window_params = [{transform_indices = #map}, {transform_indices = #map}, {transform_indices = #map}, {transform_indices = #map}]} {
    %mul3A = arith.constant 640 : i32
    %mul3A_0 = arith.muli %arg1, %mul3A : i32
    %broadcast_in_dim3A = arith.constant 0.000000e+00 : f32
    %broadcast_in_dim3A_1 = vector.broadcast %broadcast_in_dim3A : f32 to vector<16xf32>
    %scan3A = arith.constant 0 : i32
    %scan3A_2 = arith.constant 0 : i32
    %scan3A_3 = arith.constant 128 : i32
    %scan3A_4 = arith.addi %scan3A_2, %scan3A_3 : i32
    %scan3A_5 = arith.constant 1 : i32
    scf.for %scan3A_20 = %scan3A_2 to %scan3A_4 step %scan3A_5  : i32 {
      %swap3A = arith.index_cast %scan3A_20 : i32 to index
      %swap3A_21 = arith.constant 0 : index
      %swap3A_22 = tpu.vector_load %arg8[%swap3A, %swap3A_21] {strides = array<i32>} : memref<128x128xf32, #tpu.memory_space<vmem>>, vector<1x16xf32>,
      %swap3A_23 = vector.shape_cast %swap3A_22 : vector<1x16xf32> to vector<16xf32>
      %swap3A_24 = vector.shape_cast %broadcast_in_dim3A_1 : vector<16xf32> to vector<1x16xf32>
      tpu.vector_store %arg8[%swap3A, %swap3A_21], %swap3A_24 {strides = array<i32>} : memref<128x128xf32, #tpu.memory_space<vmem>>, vector<1x16xf32>,
      %swap3A_25 = arith.index_cast %scan3A_20 : i32 to index
      %swap3A_26 = arith.constant 16 : index
      %swap3A_27 = tpu.vector_load %arg8[%swap3A_25, %swap3A_26] {strides = array<i32>} : memref<128x128xf32, #tpu.memory_space<vmem>>, vector<1x16xf32>,
      %swap3A_28 = vector.shape_cast %swap3A_27 : vector<1x16xf32> to vector<16xf32>
      %swap3A_29 = vector.shape_cast %broadcast_in_dim3A_1 : vector<16xf32> to vector<1x16xf32>
      tpu.vector_store %arg8[%swap3A_25, %swap3A_26], %swap3A_29 {strides = array<i32>} : memref<128x128xf32, #tpu.memory_space<vmem>>, vector<1x16xf32>,
      %swap3A_30 = arith.index_cast %scan3A_20 : i32 to index
      %swap3A_31 = arith.constant 32 : index
      %swap3A_32 = tpu.vector_load %arg8[%swap3A_30, %swap3A_31] {strides = array<i32>} : memref<128x128xf32, #tpu.memory_space<vmem>>, vector<1x16xf32>,
      %swap3A_33 = vector.shape_cast %swap3A_32 : vector<1x16xf32> to vector<16xf32>
      %swap3A_34 = vector.shape_cast %broadcast_in_dim3A_1 : vector<16xf32> to vector<1x16xf32>
      tpu.vector_store %arg8[%swap3A_30, %swap3A_31], %swap3A_34 {strides = array<i32>} : memref<128x128xf32, #tpu.memory_space<vmem>>, vector<1x16xf32>,
      %swap3A_35 = arith.index_cast %scan3A_20 : i32 to index
      %swap3A_36 = arith.constant 48 : index
      %swap3A_37 = tpu.vector_load %arg8[%swap3A_35, %swap3A_36] {strides = array<i32>} : memref<128x128xf32, #tpu.memory_space<vmem>>, vector<1x16xf32>,
      %swap3A_38 = vector.shape_cast %swap3A_37 : vector<1x16xf32> to vector<16xf32>
      %swap3A_39 = vector.shape_cast %broadcast_in_dim3A_1 : vector<16xf32> to vector<1x16xf32>
      tpu.vector_store %arg8[%swap3A_35, %swap3A_36], %swap3A_39 {strides = array<i32>} : memref<128x128xf32, #tpu.memory_space<vmem>>, vector<1x16xf32>,
      %swap3A_40 = arith.index_cast %scan3A_20 : i32 to index
      %swap3A_41 = arith.constant 64 : index
      %swap3A_42 = tpu.vector_load %arg8[%swap3A_40, %swap3A_41] {strides = array<i32>} : memref<128x128xf32, #tpu.memory_space<vmem>>, vector<1x16xf32>,
      %swap3A_43 = vector.shape_cast %swap3A_42 : vector<1x16xf32> to vector<16xf32>
      %swap3A_44 = vector.shape_cast %broadcast_in_dim3A_1 : vector<16xf32> to vector<1x16xf32>
      tpu.vector_store %arg8[%swap3A_40, %swap3A_41], %swap3A_44 {strides = array<i32>} : memref<128x128xf32, #tpu.memory_space<vmem>>, vector<1x16xf32>,
      %swap3A_45 = arith.index_cast %scan3A_20 : i32 to index
      %swap3A_46 = arith.constant 80 : index
      %swap3A_47 = tpu.vector_load %arg8[%swap3A_45, %swap3A_46] {strides = array<i32>} : memref<128x128xf32, #tpu.memory_space<vmem>>, vector<1x16xf32>,
      %swap3A_48 = vector.shape_cast %swap3A_47 : vector<1x16xf32> to vector<16xf32>
      %swap3A_49 = vector.shape_cast %broadcast_in_dim3A_1 : vector<16xf32> to vector<1x16xf32>
      tpu.vector_store %arg8[%swap3A_45, %swap3A_46], %swap3A_49 {strides = array<i32>} : memref<128x128xf32, #tpu.memory_space<vmem>>, vector<1x16xf32>,
      %swap3A_50 = arith.index_cast %scan3A_20 : i32 to index
      %swap3A_51 = arith.constant 96 : index
      %swap3A_52 = tpu.vector_load %arg8[%swap3A_50, %swap3A_51] {strides = array<i32>} : memref<128x128xf32, #tpu.memory_space<vmem>>, vector<1x16xf32>,
      %swap3A_53 = vector.shape_cast %swap3A_52 : vector<1x16xf32> to vector<16xf32>
      %swap3A_54 = vector.shape_cast %broadcast_in_dim3A_1 : vector<16xf32> to vector<1x16xf32>
      tpu.vector_store %arg8[%swap3A_50, %swap3A_51], %swap3A_54 {strides = array<i32>} : memref<128x128xf32, #tpu.memory_space<vmem>>, vector<1x16xf32>,
      %swap3A_55 = arith.index_cast %scan3A_20 : i32 to index
      %swap3A_56 = arith.constant 112 : index
      %swap3A_57 = tpu.vector_load %arg8[%swap3A_55, %swap3A_56] {strides = array<i32>} : memref<128x128xf32, #tpu.memory_space<vmem>>, vector<1x16xf32>,
      %swap3A_58 = vector.shape_cast %swap3A_57 : vector<1x16xf32> to vector<16xf32>
      %swap3A_59 = vector.shape_cast %broadcast_in_dim3A_1 : vector<16xf32> to vector<1x16xf32>
      tpu.vector_store %arg8[%swap3A_55, %swap3A_56], %swap3A_59 {strides = array<i32>} : memref<128x128xf32, #tpu.memory_space<vmem>>, vector<1x16xf32>,
    }
    %scan3A_6 = arith.constant 128 : i32
    %scan3A_7 = arith.constant 0 : i32
    %scan3A_8 = arith.constant 0 : i32
    %scan3A_9 = arith.constant 5 : i32
    %scan3A_10 = arith.addi %scan3A_8, %scan3A_9 : i32
    %scan3A_11 = arith.constant 1 : i32
    scf.for %scan3A_20 = %scan3A_8 to %scan3A_10 step %scan3A_11  : i32 {
      %mul3A_21 = arith.constant 128 : i32
      %mul3A_22 = arith.muli %scan3A_20, %mul3A_21 : i32
      %add3A = arith.addi %mul3A_0, %mul3A_22 : i32
      "tpu.region"() ({
        %run_scoped3A = tpu.sem_alloc : memref<!tpu.dma_semaphore, #tpu.memory_space<semaphore_mem>>
        %dma_start3A = arith.constant 0 : i32
        %dma_start3A_23 = tpu.memref_slice %arg9[%add3A, %dma_start3A] : memref<10240x128xf32, #tpu.memory_space<vmem_shared>> -> memref<128x128xf32, #tpu.memory_space<vmem_shared>>
        %dma_start3A_24 = arith.constant 0 : i32
        %dma_start3A_25 = tpu.memref_slice %arg9[%add3A, %dma_start3A_24] : memref<10240x128xf32, #tpu.memory_space<vmem_shared>> -> memref<128x128xf32, #tpu.memory_space<vmem_shared>>
        tpu.enqueue_dma source(%arg8 : memref<128x128xf32, #tpu.memory_space<vmem>>) target(%dma_start3A_25 : memref<128x128xf32, #tpu.memory_space<vmem_shared>>) target_semaphore(%run_scoped3A : memref<!tpu.dma_semaphore, #tpu.memory_space<semaphore_mem>>)
        %dma_wait3A = arith.constant 0 : i32
        %dma_wait3A_26 = tpu.memref_slice %arg9[%add3A, %dma_wait3A] : memref<10240x128xf32, #tpu.memory_space<vmem_shared>> -> memref<128x128xf32, #tpu.memory_space<vmem_shared>>
        %dma_wait3A_27 = arith.constant 0 : i32
        %dma_wait3A_28 = tpu.memref_slice %arg9[%add3A, %dma_wait3A_27] : memref<10240x128xf32, #tpu.memory_space<vmem_shared>> -> memref<128x128xf32, #tpu.memory_space<vmem_shared>>
        tpu.wait_dma2 semaphore(%run_scoped3A : memref<!tpu.dma_semaphore, #tpu.memory_space<semaphore_mem>>) src(%arg8 : memref<128x128xf32, #tpu.memory_space<vmem>>) dst(%dma_wait3A_28 : memref<128x128xf32, #tpu.memory_space<vmem_shared>>)
        tpu.yield
      }) : () -> ()
    }
    %scan3A_12 = arith.constant 5 : i32
    %barrier3A = arith.constant 0 : index
    tpu.barrier barrier_id(%barrier3A)
    "tpu.region"() ({
      %run_scoped3A = tpu.sem_alloc : memref<!tpu.dma_semaphore, #tpu.memory_space<semaphore_mem>>
      %dma_start3A = arith.constant 0 : i32
      %dma_start3A_20 = arith.constant 0 : i32
      %dma_start3A_21 = tpu.memref_slice %arg3[%arg1, %dma_start3A, %dma_start3A_20] : memref<16x79x128xi32, #tpu.memory_space<hbm>> -> memref<1x79x128xi32, #tpu.memory_space<hbm>>
      %dma_start3A_22 = tpu.memref_squeeze %dma_start3A_21 : memref<1x79x128xi32, #tpu.memory_space<hbm>> -> memref<79x128xi32, #tpu.memory_space<hbm>>
      %dma_start3A_23 = arith.constant 0 : i32
      %dma_start3A_24 = arith.constant 0 : i32
      %dma_start3A_25 = tpu.memref_slice %arg3[%arg1, %dma_start3A_23, %dma_start3A_24] : memref<16x79x128xi32, #tpu.memory_space<hbm>> -> memref<1x79x128xi32, #tpu.memory_space<hbm>>
      %dma_start3A_26 = tpu.memref_squeeze %dma_start3A_25 : memref<1x79x128xi32, #tpu.memory_space<hbm>> -> memref<79x128xi32, #tpu.memory_space<hbm>>
      tpu.enqueue_dma source(%dma_start3A_26 : memref<79x128xi32, #tpu.memory_space<hbm>>) target(%arg6 : memref<79x128xi32, #tpu.memory_space<vmem>>) target_semaphore(%run_scoped3A : memref<!tpu.dma_semaphore, #tpu.memory_space<semaphore_mem>>)
      %dma_wait3A = arith.constant 0 : i32
      %dma_wait3A_27 = arith.constant 0 : i32
      %dma_wait3A_28 = tpu.memref_slice %arg3[%arg1, %dma_wait3A, %dma_wait3A_27] : memref<16x79x128xi32, #tpu.memory_space<hbm>> -> memref<1x79x128xi32, #tpu.memory_space<hbm>>
      %dma_wait3A_29 = tpu.memref_squeeze %dma_wait3A_28 : memref<1x79x128xi32, #tpu.memory_space<hbm>> -> memref<79x128xi32, #tpu.memory_space<hbm>>
      %dma_wait3A_30 = arith.constant 0 : i32
      %dma_wait3A_31 = arith.constant 0 : i32
      %dma_wait3A_32 = tpu.memref_slice %arg3[%arg1, %dma_wait3A_30, %dma_wait3A_31] : memref<16x79x128xi32, #tpu.memory_space<hbm>> -> memref<1x79x128xi32, #tpu.memory_space<hbm>>
      %dma_wait3A_33 = tpu.memref_squeeze %dma_wait3A_32 : memref<1x79x128xi32, #tpu.memory_space<hbm>> -> memref<79x128xi32, #tpu.memory_space<hbm>>
      tpu.wait_dma2 semaphore(%run_scoped3A : memref<!tpu.dma_semaphore, #tpu.memory_space<semaphore_mem>>) src(%dma_wait3A_33 : memref<79x128xi32, #tpu.memory_space<hbm>>) dst(%arg6 : memref<79x128xi32, #tpu.memory_space<vmem>>)
      tpu.yield
    }) : () -> ()
    "tpu.region"() ({
      %run_scoped3A = tpu.sem_alloc : memref<!tpu.dma_semaphore, #tpu.memory_space<semaphore_mem>>
      %dma_start3A = arith.constant 0 : i32
      %dma_start3A_20 = arith.constant 0 : i32
      %dma_start3A_21 = tpu.memref_slice %arg4[%arg1, %dma_start3A, %dma_start3A_20] : memref<16x79x128xi32, #tpu.memory_space<hbm>> -> memref<1x79x128xi32, #tpu.memory_space<hbm>>
      %dma_start3A_22 = tpu.memref_squeeze %dma_start3A_21 : memref<1x79x128xi32, #tpu.memory_space<hbm>> -> memref<79x128xi32, #tpu.memory_space<hbm>>
      %dma_start3A_23 = arith.constant 0 : i32
      %dma_start3A_24 = arith.constant 0 : i32
      %dma_start3A_25 = tpu.memref_slice %arg4[%arg1, %dma_start3A_23, %dma_start3A_24] : memref<16x79x128xi32, #tpu.memory_space<hbm>> -> memref<1x79x128xi32, #tpu.memory_space<hbm>>
      %dma_start3A_26 = tpu.memref_squeeze %dma_start3A_25 : memref<1x79x128xi32, #tpu.memory_space<hbm>> -> memref<79x128xi32, #tpu.memory_space<hbm>>
      tpu.enqueue_dma source(%dma_start3A_26 : memref<79x128xi32, #tpu.memory_space<hbm>>) target(%arg7 : memref<79x128xi32, #tpu.memory_space<vmem>>) target_semaphore(%run_scoped3A : memref<!tpu.dma_semaphore, #tpu.memory_space<semaphore_mem>>)
      %dma_wait3A = arith.constant 0 : i32
      %dma_wait3A_27 = arith.constant 0 : i32
      %dma_wait3A_28 = tpu.memref_slice %arg4[%arg1, %dma_wait3A, %dma_wait3A_27] : memref<16x79x128xi32, #tpu.memory_space<hbm>> -> memref<1x79x128xi32, #tpu.memory_space<hbm>>
      %dma_wait3A_29 = tpu.memref_squeeze %dma_wait3A_28 : memref<1x79x128xi32, #tpu.memory_space<hbm>> -> memref<79x128xi32, #tpu.memory_space<hbm>>
      %dma_wait3A_30 = arith.constant 0 : i32
      %dma_wait3A_31 = arith.constant 0 : i32
      %dma_wait3A_32 = tpu.memref_slice %arg4[%arg1, %dma_wait3A_30, %dma_wait3A_31] : memref<16x79x128xi32, #tpu.memory_space<hbm>> -> memref<1x79x128xi32, #tpu.memory_space<hbm>>
      %dma_wait3A_33 = tpu.memref_squeeze %dma_wait3A_32 : memref<1x79x128xi32, #tpu.memory_space<hbm>> -> memref<79x128xi32, #tpu.memory_space<hbm>>
      tpu.wait_dma2 semaphore(%run_scoped3A : memref<!tpu.dma_semaphore, #tpu.memory_space<semaphore_mem>>) src(%dma_wait3A_33 : memref<79x128xi32, #tpu.memory_space<hbm>>) dst(%arg7 : memref<79x128xi32, #tpu.memory_space<vmem>>)
      tpu.yield
    }) : () -> ()
    %scan3A_13 = arith.constant 0 : i32
    %scan3A_14 = arith.constant 0 : i32
    %scan3A_15 = arith.constant 79 : i32
    %scan3A_16 = arith.addi %scan3A_14, %scan3A_15 : i32
    %scan3A_17 = arith.constant 1 : i32
    scf.for %scan3A_20 = %scan3A_14 to %scan3A_16 step %scan3A_17  : i32 {
      %dma_start3A = arith.constant 0 : i32
      %dma_start3A_21 = tpu.memref_slice %arg6[%scan3A_20, %dma_start3A] : memref<79x128xi32, #tpu.memory_space<vmem>> -> memref<1x128xi32, #tpu.memory_space<vmem>>
      %dma_start3A_22 = tpu.memref_squeeze %dma_start3A_21 : memref<1x128xi32, #tpu.memory_space<vmem>> -> memref<128xi32, #tpu.memory_space<vmem>>
      %dma_start3A_23 = arith.constant 0 : i32
      %dma_start3A_24 = arith.constant 0 : i32
      %dma_start3A_25 = tpu.memref_slice %arg2[%arg0, %dma_start3A_23, %dma_start3A_24] : memref<2x10240x128xf32, #tpu.memory_space<hbm>> -> memref<1x10240x128xf32, #tpu.memory_space<hbm>>
      %dma_start3A_26 = tpu.memref_squeeze %dma_start3A_25 : memref<1x10240x128xf32, #tpu.memory_space<hbm>> -> memref<10240x128xf32, #tpu.memory_space<hbm>>
      %dma_start3A_27 = arith.constant 0 : i32
      %dma_start3A_28 = arith.constant 0 : i32
      %dma_start3A_29 = tpu.memref_slice %dma_start3A_26[%dma_start3A_27, %dma_start3A_28] : memref<10240x128xf32, #tpu.memory_space<hbm>> -> memref<10240x128xf32, #tpu.memory_space<hbm>>
      tpu.enqueue_indirect_dma source(%dma_start3A_29 : memref<10240x128xf32, #tpu.memory_space<hbm>>) target(%arg8 : memref<128x128xf32, #tpu.memory_space<vmem>>) offsets(%dma_start3A_22 : memref<128xi32, #tpu.memory_space<vmem>>) semaphore(%arg10 : memref<!tpu.dma_semaphore, #tpu.memory_space<semaphore_mem>>)
      %dma_wait3A = arith.constant 0 : i32
      %dma_wait3A_30 = arith.constant 0 : i32
      %dma_wait3A_31 = tpu.memref_slice %arg2[%arg0, %dma_wait3A, %dma_wait3A_30] : memref<2x10240x128xf32, #tpu.memory_space<hbm>> -> memref<1x10240x128xf32, #tpu.memory_space<hbm>>
      %dma_wait3A_32 = tpu.memref_squeeze %dma_wait3A_31 : memref<1x10240x128xf32, #tpu.memory_space<hbm>> -> memref<10240x128xf32, #tpu.memory_space<hbm>>
      %dma_wait3A_33 = arith.constant 0 : i32
      %dma_wait3A_34 = arith.constant 0 : i32
      %dma_wait3A_35 = tpu.memref_slice %dma_wait3A_32[%dma_wait3A_33, %dma_wait3A_34] : memref<10240x128xf32, #tpu.memory_space<hbm>> -> memref<128x128xf32, #tpu.memory_space<hbm>>
      %dma_wait3A_36 = arith.constant 0 : i32
      %dma_wait3A_37 = arith.constant 0 : i32
      %dma_wait3A_38 = tpu.memref_slice %arg2[%arg0, %dma_wait3A_36, %dma_wait3A_37] : memref<2x10240x128xf32, #tpu.memory_space<hbm>> -> memref<1x10240x128xf32, #tpu.memory_space<hbm>>
      %dma_wait3A_39 = tpu.memref_squeeze %dma_wait3A_38 : memref<1x10240x128xf32, #tpu.memory_space<hbm>> -> memref<10240x128xf32, #tpu.memory_space<hbm>>
      %dma_wait3A_40 = arith.constant 0 : i32
      %dma_wait3A_41 = arith.constant 0 : i32
      %dma_wait3A_42 = tpu.memref_slice %dma_wait3A_39[%dma_wait3A_40, %dma_wait3A_41] : memref<10240x128xf32, #tpu.memory_space<hbm>> -> memref<128x128xf32, #tpu.memory_space<hbm>>
      tpu.wait_dma2 semaphore(%arg10 : memref<!tpu.dma_semaphore, #tpu.memory_space<semaphore_mem>>) src(%dma_wait3A_42 : memref<128x128xf32, #tpu.memory_space<hbm>>) dst(%arg8 : memref<128x128xf32, #tpu.memory_space<vmem>>)
      %dma_start3A_43 = arith.constant 0 : i32
      %dma_start3A_44 = tpu.memref_slice %arg7[%scan3A_20, %dma_start3A_43] : memref<79x128xi32, #tpu.memory_space<vmem>> -> memref<1x128xi32, #tpu.memory_space<vmem>>
      %dma_start3A_45 = tpu.memref_squeeze %dma_start3A_44 : memref<1x128xi32, #tpu.memory_space<vmem>> -> memref<128xi32, #tpu.memory_space<vmem>>
      %dma_start3A_46 = arith.constant 0 : i32
      %dma_start3A_47 = arith.constant 0 : i32
      %dma_start3A_48 = tpu.memref_slice %arg9[%dma_start3A_46, %dma_start3A_47] : memref<10240x128xf32, #tpu.memory_space<vmem_shared>> -> memref<10240x128xf32, #tpu.memory_space<vmem_shared>>
      tpu.enqueue_indirect_dma source(%arg8 : memref<128x128xf32, #tpu.memory_space<vmem>>) target(%dma_start3A_48 : memref<10240x128xf32, #tpu.memory_space<vmem_shared>>) offsets(%dma_start3A_45 : memref<128xi32, #tpu.memory_space<vmem>>) semaphore(%arg11 : memref<!tpu.dma_semaphore, #tpu.memory_space<semaphore_mem>>) {add = true}
      %dma_wait3A_49 = arith.constant 0 : i32
      %dma_wait3A_50 = arith.constant 0 : i32
      %dma_wait3A_51 = tpu.memref_slice %arg9[%dma_wait3A_49, %dma_wait3A_50] : memref<10240x128xf32, #tpu.memory_space<vmem_shared>> -> memref<128x128xf32, #tpu.memory_space<vmem_shared>>
      %dma_wait3A_52 = arith.constant 0 : i32
      %dma_wait3A_53 = arith.constant 0 : i32
      %dma_wait3A_54 = tpu.memref_slice %arg9[%dma_wait3A_52, %dma_wait3A_53] : memref<10240x128xf32, #tpu.memory_space<vmem_shared>> -> memref<128x128xf32, #tpu.memory_space<vmem_shared>>
      tpu.wait_dma2 semaphore(%arg11 : memref<!tpu.dma_semaphore, #tpu.memory_space<semaphore_mem>>) src(%arg8 : memref<128x128xf32, #tpu.memory_space<vmem>>) dst(%dma_wait3A_54 : memref<128x128xf32, #tpu.memory_space<vmem_shared>>)
    }
    %scan3A_18 = arith.constant 79 : i32
    %barrier3A_19 = arith.constant 0 : index
    tpu.barrier barrier_id(%barrier3A_19)
    "tpu.region"() ({
      %run_scoped3A = tpu.sem_alloc : memref<!tpu.dma_semaphore, #tpu.memory_space<semaphore_mem>>
      %dma_start3A = arith.constant 0 : i32
      %dma_start3A_20 = arith.constant 0 : i32
      %dma_start3A_21 = tpu.memref_slice %arg5[%arg0, %dma_start3A, %dma_start3A_20] : memref<2x10240x128xf32, #tpu.memory_space<hbm>> -> memref<1x10240x128xf32, #tpu.memory_space<hbm>>
      %dma_start3A_22 = tpu.memref_squeeze %dma_start3A_21 : memref<1x10240x128xf32, #tpu.memory_space<hbm>> -> memref<10240x128xf32, #tpu.memory_space<hbm>>
      %dma_start3A_23 = arith.constant 0 : i32
      %dma_start3A_24 = tpu.memref_slice %dma_start3A_22[%mul3A_0, %dma_start3A_23] : memref<10240x128xf32, #tpu.memory_space<hbm>> -> memref<640x128xf32, #tpu.memory_space<hbm>>
      %dma_start3A_25 = arith.constant 0 : i32
      %dma_start3A_26 = tpu.memref_slice %arg9[%mul3A_0, %dma_start3A_25] : memref<10240x128xf32, #tpu.memory_space<vmem_shared>> -> memref<640x128xf32, #tpu.memory_space<vmem_shared>>
      tpu.enqueue_dma source(%dma_start3A_26 : memref<640x128xf32, #tpu.memory_space<vmem_shared>>) target(%dma_start3A_24 : memref<640x128xf32, #tpu.memory_space<hbm>>) target_semaphore(%run_scoped3A : memref<!tpu.dma_semaphore, #tpu.memory_space<semaphore_mem>>)
      %dma_wait3A = arith.constant 0 : i32
      %dma_wait3A_27 = arith.constant 0 : i32
      %dma_wait3A_28 = tpu.memref_slice %arg5[%arg0, %dma_wait3A, %dma_wait3A_27] : memref<2x10240x128xf32, #tpu.memory_space<hbm>> -> memref<1x10240x128xf32, #tpu.memory_space<hbm>>
      %dma_wait3A_29 = tpu.memref_squeeze %dma_wait3A_28 : memref<1x10240x128xf32, #tpu.memory_space<hbm>> -> memref<10240x128xf32, #tpu.memory_space<hbm>>
      %dma_wait3A_30 = arith.constant 0 : i32
      %dma_wait3A_31 = tpu.memref_slice %dma_wait3A_29[%mul3A_0, %dma_wait3A_30] : memref<10240x128xf32, #tpu.memory_space<hbm>> -> memref<640x128xf32, #tpu.memory_space<hbm>>
      %dma_wait3A_32 = arith.constant 0 : i32
      %dma_wait3A_33 = tpu.memref_slice %arg9[%mul3A_0, %dma_wait3A_32] : memref<10240x128xf32, #tpu.memory_space<vmem_shared>> -> memref<640x128xf32, #tpu.memory_space<vmem_shared>>
      tpu.wait_dma2 semaphore(%run_scoped3A : memref<!tpu.dma_semaphore, #tpu.memory_space<semaphore_mem>>) src(%dma_wait3A_33 : memref<640x128xf32, #tpu.memory_space<vmem_shared>>) dst(%dma_wait3A_31 : memref<640x128xf32, #tpu.memory_space<hbm>>)
      tpu.yield
    }) : () -> ()
    return
  }
}

#map = affine_map<(d0, d1) -> (0, 0, 0)>
module attributes {stable_mosaic.version = 14 : i64} {
  func.func @agg_kernel(%arg0: i32, %arg1: i32, %arg2: memref<2x10240x128xf32, #tpu.memory_space<hbm>>, %arg3: memref<16x79x128xi32, #tpu.memory_space<hbm>>, %arg4: memref<16x79x128xi32, #tpu.memory_space<hbm>>, %arg5: memref<2x10240x128xf32, #tpu.memory_space<hbm>>, %arg6: memref<79x128xi32, #tpu.memory_space<vmem>>, %arg7: memref<79x128xi32, #tpu.memory_space<vmem>>, %arg8: memref<128x128xf32, #tpu.memory_space<vmem>>, %arg9: memref<10240x128xf32, #tpu.memory_space<vmem_shared>>, %arg10: memref<!tpu.dma_semaphore, #tpu.memory_space<semaphore_mem>>, %arg11: memref<!tpu.dma_semaphore, #tpu.memory_space<semaphore_mem>>) attributes {dimension_semantics = [#tpu.dimension_semantics<core_parallel>, #tpu.dimension_semantics<subcore_parallel>], iteration_bounds = array<i64: 2, 16>, scalar_prefetch = 0 : i64, scratch_operands = 6 : i64, tpu.core_type = #tpu.core_type<sc_vector_subcore>, window_params = [{transform_indices = #map}, {transform_indices = #map}, {transform_indices = #map}, {transform_indices = #map}]} {
    %mul3A = arith.constant 640 : i32
    %mul3A_0 = arith.muli %arg1, %mul3A : i32
    %broadcast_in_dim3A = arith.constant 0.000000e+00 : f32
    %broadcast_in_dim3A_1 = vector.broadcast %broadcast_in_dim3A : f32 to vector<16xf32>
    %scan3A = arith.constant 0 : i32
    %scan3A_2 = arith.constant 0 : i32
    %scan3A_3 = arith.constant 128 : i32
    %scan3A_4 = arith.addi %scan3A_2, %scan3A_3 : i32
    %scan3A_5 = arith.constant 1 : i32
    scf.for %scan3A_20 = %scan3A_2 to %scan3A_4 step %scan3A_5  : i32 {
      %swap3A = arith.index_cast %scan3A_20 : i32 to index
      %swap3A_21 = arith.constant 0 : index
      %swap3A_22 = tpu.vector_load %arg8[%swap3A, %swap3A_21] {strides = array<i32>} : memref<128x128xf32, #tpu.memory_space<vmem>>, vector<1x16xf32>,
      %swap3A_23 = vector.shape_cast %swap3A_22 : vector<1x16xf32> to vector<16xf32>
      %swap3A_24 = vector.shape_cast %broadcast_in_dim3A_1 : vector<16xf32> to vector<1x16xf32>
      tpu.vector_store %arg8[%swap3A, %swap3A_21], %swap3A_24 {strides = array<i32>} : memref<128x128xf32, #tpu.memory_space<vmem>>, vector<1x16xf32>,
      %swap3A_25 = arith.index_cast %scan3A_20 : i32 to index
      %swap3A_26 = arith.constant 16 : index
      %swap3A_27 = tpu.vector_load %arg8[%swap3A_25, %swap3A_26] {strides = array<i32>} : memref<128x128xf32, #tpu.memory_space<vmem>>, vector<1x16xf32>,
      %swap3A_28 = vector.shape_cast %swap3A_27 : vector<1x16xf32> to vector<16xf32>
      %swap3A_29 = vector.shape_cast %broadcast_in_dim3A_1 : vector<16xf32> to vector<1x16xf32>
      tpu.vector_store %arg8[%swap3A_25, %swap3A_26], %swap3A_29 {strides = array<i32>} : memref<128x128xf32, #tpu.memory_space<vmem>>, vector<1x16xf32>,
      %swap3A_30 = arith.index_cast %scan3A_20 : i32 to index
      %swap3A_31 = arith.constant 32 : index
      %swap3A_32 = tpu.vector_load %arg8[%swap3A_30, %swap3A_31] {strides = array<i32>} : memref<128x128xf32, #tpu.memory_space<vmem>>, vector<1x16xf32>,
      %swap3A_33 = vector.shape_cast %swap3A_32 : vector<1x16xf32> to vector<16xf32>
      %swap3A_34 = vector.shape_cast %broadcast_in_dim3A_1 : vector<16xf32> to vector<1x16xf32>
      tpu.vector_store %arg8[%swap3A_30, %swap3A_31], %swap3A_34 {strides = array<i32>} : memref<128x128xf32, #tpu.memory_space<vmem>>, vector<1x16xf32>,
      %swap3A_35 = arith.index_cast %scan3A_20 : i32 to index
      %swap3A_36 = arith.constant 48 : index
      %swap3A_37 = tpu.vector_load %arg8[%swap3A_35, %swap3A_36] {strides = array<i32>} : memref<128x128xf32, #tpu.memory_space<vmem>>, vector<1x16xf32>,
      %swap3A_38 = vector.shape_cast %swap3A_37 : vector<1x16xf32> to vector<16xf32>
      %swap3A_39 = vector.shape_cast %broadcast_in_dim3A_1 : vector<16xf32> to vector<1x16xf32>
      tpu.vector_store %arg8[%swap3A_35, %swap3A_36], %swap3A_39 {strides = array<i32>} : memref<128x128xf32, #tpu.memory_space<vmem>>, vector<1x16xf32>,
      %swap3A_40 = arith.index_cast %scan3A_20 : i32 to index
      %swap3A_41 = arith.constant 64 : index
      %swap3A_42 = tpu.vector_load %arg8[%swap3A_40, %swap3A_41] {strides = array<i32>} : memref<128x128xf32, #tpu.memory_space<vmem>>, vector<1x16xf32>,
      %swap3A_43 = vector.shape_cast %swap3A_42 : vector<1x16xf32> to vector<16xf32>
      %swap3A_44 = vector.shape_cast %broadcast_in_dim3A_1 : vector<16xf32> to vector<1x16xf32>
      tpu.vector_store %arg8[%swap3A_40, %swap3A_41], %swap3A_44 {strides = array<i32>} : memref<128x128xf32, #tpu.memory_space<vmem>>, vector<1x16xf32>,
      %swap3A_45 = arith.index_cast %scan3A_20 : i32 to index
      %swap3A_46 = arith.constant 80 : index
      %swap3A_47 = tpu.vector_load %arg8[%swap3A_45, %swap3A_46] {strides = array<i32>} : memref<128x128xf32, #tpu.memory_space<vmem>>, vector<1x16xf32>,
      %swap3A_48 = vector.shape_cast %swap3A_47 : vector<1x16xf32> to vector<16xf32>
      %swap3A_49 = vector.shape_cast %broadcast_in_dim3A_1 : vector<16xf32> to vector<1x16xf32>
      tpu.vector_store %arg8[%swap3A_45, %swap3A_46], %swap3A_49 {strides = array<i32>} : memref<128x128xf32, #tpu.memory_space<vmem>>, vector<1x16xf32>,
      %swap3A_50 = arith.index_cast %scan3A_20 : i32 to index
      %swap3A_51 = arith.constant 96 : index
      %swap3A_52 = tpu.vector_load %arg8[%swap3A_50, %swap3A_51] {strides = array<i32>} : memref<128x128xf32, #tpu.memory_space<vmem>>, vector<1x16xf32>,
      %swap3A_53 = vector.shape_cast %swap3A_52 : vector<1x16xf32> to vector<16xf32>
      %swap3A_54 = vector.shape_cast %broadcast_in_dim3A_1 : vector<16xf32> to vector<1x16xf32>
      tpu.vector_store %arg8[%swap3A_50, %swap3A_51], %swap3A_54 {strides = array<i32>} : memref<128x128xf32, #tpu.memory_space<vmem>>, vector<1x16xf32>,
      %swap3A_55 = arith.index_cast %scan3A_20 : i32 to index
      %swap3A_56 = arith.constant 112 : index
      %swap3A_57 = tpu.vector_load %arg8[%swap3A_55, %swap3A_56] {strides = array<i32>} : memref<128x128xf32, #tpu.memory_space<vmem>>, vector<1x16xf32>,
      %swap3A_58 = vector.shape_cast %swap3A_57 : vector<1x16xf32> to vector<16xf32>
      %swap3A_59 = vector.shape_cast %broadcast_in_dim3A_1 : vector<16xf32> to vector<1x16xf32>
      tpu.vector_store %arg8[%swap3A_55, %swap3A_56], %swap3A_59 {strides = array<i32>} : memref<128x128xf32, #tpu.memory_space<vmem>>, vector<1x16xf32>,
    }
    %scan3A_6 = arith.constant 128 : i32
    %scan3A_7 = arith.constant 0 : i32
    %scan3A_8 = arith.constant 0 : i32
    %scan3A_9 = arith.constant 5 : i32
    %scan3A_10 = arith.addi %scan3A_8, %scan3A_9 : i32
    %scan3A_11 = arith.constant 1 : i32
    scf.for %scan3A_20 = %scan3A_8 to %scan3A_10 step %scan3A_11  : i32 {
      %mul3A_21 = arith.constant 128 : i32
      %mul3A_22 = arith.muli %scan3A_20, %mul3A_21 : i32
      %add3A = arith.addi %mul3A_0, %mul3A_22 : i32
      "tpu.region"() ({
        %run_scoped3A = tpu.sem_alloc : memref<!tpu.dma_semaphore, #tpu.memory_space<semaphore_mem>>
        %dma_start3A = arith.constant 0 : i32
        %dma_start3A_23 = tpu.memref_slice %arg9[%add3A, %dma_start3A] : memref<10240x128xf32, #tpu.memory_space<vmem_shared>> -> memref<128x128xf32, #tpu.memory_space<vmem_shared>>
        %dma_start3A_24 = arith.constant 0 : i32
        %dma_start3A_25 = tpu.memref_slice %arg9[%add3A, %dma_start3A_24] : memref<10240x128xf32, #tpu.memory_space<vmem_shared>> -> memref<128x128xf32, #tpu.memory_space<vmem_shared>>
        tpu.enqueue_dma source(%arg8 : memref<128x128xf32, #tpu.memory_space<vmem>>) target(%dma_start3A_25 : memref<128x128xf32, #tpu.memory_space<vmem_shared>>) target_semaphore(%run_scoped3A : memref<!tpu.dma_semaphore, #tpu.memory_space<semaphore_mem>>)
        %dma_wait3A = arith.constant 0 : i32
        %dma_wait3A_26 = tpu.memref_slice %arg9[%add3A, %dma_wait3A] : memref<10240x128xf32, #tpu.memory_space<vmem_shared>> -> memref<128x128xf32, #tpu.memory_space<vmem_shared>>
        %dma_wait3A_27 = arith.constant 0 : i32
        %dma_wait3A_28 = tpu.memref_slice %arg9[%add3A, %dma_wait3A_27] : memref<10240x128xf32, #tpu.memory_space<vmem_shared>> -> memref<128x128xf32, #tpu.memory_space<vmem_shared>>
        tpu.wait_dma2 semaphore(%run_scoped3A : memref<!tpu.dma_semaphore, #tpu.memory_space<semaphore_mem>>) src(%arg8 : memref<128x128xf32, #tpu.memory_space<vmem>>) dst(%dma_wait3A_28 : memref<128x128xf32, #tpu.memory_space<vmem_shared>>)
        tpu.yield
      }) : () -> ()
    }
    %scan3A_12 = arith.constant 5 : i32
    %barrier3A = arith.constant 0 : index
    tpu.barrier barrier_id(%barrier3A)
    "tpu.region"() ({
      %run_scoped3A = tpu.sem_alloc : memref<!tpu.dma_semaphore, #tpu.memory_space<semaphore_mem>>
      %dma_start3A = arith.constant 0 : i32
      %dma_start3A_20 = arith.constant 0 : i32
      %dma_start3A_21 = tpu.memref_slice %arg3[%arg1, %dma_start3A, %dma_start3A_20] : memref<16x79x128xi32, #tpu.memory_space<hbm>> -> memref<1x79x128xi32, #tpu.memory_space<hbm>>
      %dma_start3A_22 = tpu.memref_squeeze %dma_start3A_21 : memref<1x79x128xi32, #tpu.memory_space<hbm>> -> memref<79x128xi32, #tpu.memory_space<hbm>>
      %dma_start3A_23 = arith.constant 0 : i32
      %dma_start3A_24 = arith.constant 0 : i32
      %dma_start3A_25 = tpu.memref_slice %arg3[%arg1, %dma_start3A_23, %dma_start3A_24] : memref<16x79x128xi32, #tpu.memory_space<hbm>> -> memref<1x79x128xi32, #tpu.memory_space<hbm>>
      %dma_start3A_26 = tpu.memref_squeeze %dma_start3A_25 : memref<1x79x128xi32, #tpu.memory_space<hbm>> -> memref<79x128xi32, #tpu.memory_space<hbm>>
      tpu.enqueue_dma source(%dma_start3A_26 : memref<79x128xi32, #tpu.memory_space<hbm>>) target(%arg6 : memref<79x128xi32, #tpu.memory_space<vmem>>) target_semaphore(%run_scoped3A : memref<!tpu.dma_semaphore, #tpu.memory_space<semaphore_mem>>)
      %dma_wait3A = arith.constant 0 : i32
      %dma_wait3A_27 = arith.constant 0 : i32
      %dma_wait3A_28 = tpu.memref_slice %arg3[%arg1, %dma_wait3A, %dma_wait3A_27] : memref<16x79x128xi32, #tpu.memory_space<hbm>> -> memref<1x79x128xi32, #tpu.memory_space<hbm>>
      %dma_wait3A_29 = tpu.memref_squeeze %dma_wait3A_28 : memref<1x79x128xi32, #tpu.memory_space<hbm>> -> memref<79x128xi32, #tpu.memory_space<hbm>>
      %dma_wait3A_30 = arith.constant 0 : i32
      %dma_wait3A_31 = arith.constant 0 : i32
      %dma_wait3A_32 = tpu.memref_slice %arg3[%arg1, %dma_wait3A_30, %dma_wait3A_31] : memref<16x79x128xi32, #tpu.memory_space<hbm>> -> memref<1x79x128xi32, #tpu.memory_space<hbm>>
      %dma_wait3A_33 = tpu.memref_squeeze %dma_wait3A_32 : memref<1x79x128xi32, #tpu.memory_space<hbm>> -> memref<79x128xi32, #tpu.memory_space<hbm>>
      tpu.wait_dma2 semaphore(%run_scoped3A : memref<!tpu.dma_semaphore, #tpu.memory_space<semaphore_mem>>) src(%dma_wait3A_33 : memref<79x128xi32, #tpu.memory_space<hbm>>) dst(%arg6 : memref<79x128xi32, #tpu.memory_space<vmem>>)
      tpu.yield
    }) : () -> ()
    "tpu.region"() ({
      %run_scoped3A = tpu.sem_alloc : memref<!tpu.dma_semaphore, #tpu.memory_space<semaphore_mem>>
      %dma_start3A = arith.constant 0 : i32
      %dma_start3A_20 = arith.constant 0 : i32
      %dma_start3A_21 = tpu.memref_slice %arg4[%arg1, %dma_start3A, %dma_start3A_20] : memref<16x79x128xi32, #tpu.memory_space<hbm>> -> memref<1x79x128xi32, #tpu.memory_space<hbm>>
      %dma_start3A_22 = tpu.memref_squeeze %dma_start3A_21 : memref<1x79x128xi32, #tpu.memory_space<hbm>> -> memref<79x128xi32, #tpu.memory_space<hbm>>
      %dma_start3A_23 = arith.constant 0 : i32
      %dma_start3A_24 = arith.constant 0 : i32
      %dma_start3A_25 = tpu.memref_slice %arg4[%arg1, %dma_start3A_23, %dma_start3A_24] : memref<16x79x128xi32, #tpu.memory_space<hbm>> -> memref<1x79x128xi32, #tpu.memory_space<hbm>>
      %dma_start3A_26 = tpu.memref_squeeze %dma_start3A_25 : memref<1x79x128xi32, #tpu.memory_space<hbm>> -> memref<79x128xi32, #tpu.memory_space<hbm>>
      tpu.enqueue_dma source(%dma_start3A_26 : memref<79x128xi32, #tpu.memory_space<hbm>>) target(%arg7 : memref<79x128xi32, #tpu.memory_space<vmem>>) target_semaphore(%run_scoped3A : memref<!tpu.dma_semaphore, #tpu.memory_space<semaphore_mem>>)
      %dma_wait3A = arith.constant 0 : i32
      %dma_wait3A_27 = arith.constant 0 : i32
      %dma_wait3A_28 = tpu.memref_slice %arg4[%arg1, %dma_wait3A, %dma_wait3A_27] : memref<16x79x128xi32, #tpu.memory_space<hbm>> -> memref<1x79x128xi32, #tpu.memory_space<hbm>>
      %dma_wait3A_29 = tpu.memref_squeeze %dma_wait3A_28 : memref<1x79x128xi32, #tpu.memory_space<hbm>> -> memref<79x128xi32, #tpu.memory_space<hbm>>
      %dma_wait3A_30 = arith.constant 0 : i32
      %dma_wait3A_31 = arith.constant 0 : i32
      %dma_wait3A_32 = tpu.memref_slice %arg4[%arg1, %dma_wait3A_30, %dma_wait3A_31] : memref<16x79x128xi32, #tpu.memory_space<hbm>> -> memref<1x79x128xi32, #tpu.memory_space<hbm>>
      %dma_wait3A_33 = tpu.memref_squeeze %dma_wait3A_32 : memref<1x79x128xi32, #tpu.memory_space<hbm>> -> memref<79x128xi32, #tpu.memory_space<hbm>>
      tpu.wait_dma2 semaphore(%run_scoped3A : memref<!tpu.dma_semaphore, #tpu.memory_space<semaphore_mem>>) src(%dma_wait3A_33 : memref<79x128xi32, #tpu.memory_space<hbm>>) dst(%arg7 : memref<79x128xi32, #tpu.memory_space<vmem>>)
      tpu.yield
    }) : () -> ()
    %scan3A_13 = arith.constant 0 : i32
    %scan3A_14 = arith.constant 0 : i32
    %scan3A_15 = arith.constant 79 : i32
    %scan3A_16 = arith.addi %scan3A_14, %scan3A_15 : i32
    %scan3A_17 = arith.constant 1 : i32
    scf.for %scan3A_20 = %scan3A_14 to %scan3A_16 step %scan3A_17  : i32 {
      %dma_start3A = arith.constant 0 : i32
      %dma_start3A_21 = tpu.memref_slice %arg6[%scan3A_20, %dma_start3A] : memref<79x128xi32, #tpu.memory_space<vmem>> -> memref<1x128xi32, #tpu.memory_space<vmem>>
      %dma_start3A_22 = tpu.memref_squeeze %dma_start3A_21 : memref<1x128xi32, #tpu.memory_space<vmem>> -> memref<128xi32, #tpu.memory_space<vmem>>
      %dma_start3A_23 = arith.constant 0 : i32
      %dma_start3A_24 = arith.constant 0 : i32
      %dma_start3A_25 = tpu.memref_slice %arg2[%arg0, %dma_start3A_23, %dma_start3A_24] : memref<2x10240x128xf32, #tpu.memory_space<hbm>> -> memref<1x10240x128xf32, #tpu.memory_space<hbm>>
      %dma_start3A_26 = tpu.memref_squeeze %dma_start3A_25 : memref<1x10240x128xf32, #tpu.memory_space<hbm>> -> memref<10240x128xf32, #tpu.memory_space<hbm>>
      %dma_start3A_27 = arith.constant 0 : i32
      %dma_start3A_28 = arith.constant 0 : i32
      %dma_start3A_29 = tpu.memref_slice %dma_start3A_26[%dma_start3A_27, %dma_start3A_28] : memref<10240x128xf32, #tpu.memory_space<hbm>> -> memref<10240x128xf32, #tpu.memory_space<hbm>>
      tpu.enqueue_indirect_dma source(%dma_start3A_29 : memref<10240x128xf32, #tpu.memory_space<hbm>>) target(%arg8 : memref<128x128xf32, #tpu.memory_space<vmem>>) offsets(%dma_start3A_22 : memref<128xi32, #tpu.memory_space<vmem>>) semaphore(%arg10 : memref<!tpu.dma_semaphore, #tpu.memory_space<semaphore_mem>>)
      %dma_wait3A = arith.constant 0 : i32
      %dma_wait3A_30 = arith.constant 0 : i32
      %dma_wait3A_31 = tpu.memref_slice %arg2[%arg0, %dma_wait3A, %dma_wait3A_30] : memref<2x10240x128xf32, #tpu.memory_space<hbm>> -> memref<1x10240x128xf32, #tpu.memory_space<hbm>>
      %dma_wait3A_32 = tpu.memref_squeeze %dma_wait3A_31 : memref<1x10240x128xf32, #tpu.memory_space<hbm>> -> memref<10240x128xf32, #tpu.memory_space<hbm>>
      %dma_wait3A_33 = arith.constant 0 : i32
      %dma_wait3A_34 = arith.constant 0 : i32
      %dma_wait3A_35 = tpu.memref_slice %dma_wait3A_32[%dma_wait3A_33, %dma_wait3A_34] : memref<10240x128xf32, #tpu.memory_space<hbm>> -> memref<128x128xf32, #tpu.memory_space<hbm>>
      %dma_wait3A_36 = arith.constant 0 : i32
      %dma_wait3A_37 = arith.constant 0 : i32
      %dma_wait3A_38 = tpu.memref_slice %arg2[%arg0, %dma_wait3A_36, %dma_wait3A_37] : memref<2x10240x128xf32, #tpu.memory_space<hbm>> -> memref<1x10240x128xf32, #tpu.memory_space<hbm>>
      %dma_wait3A_39 = tpu.memref_squeeze %dma_wait3A_38 : memref<1x10240x128xf32, #tpu.memory_space<hbm>> -> memref<10240x128xf32, #tpu.memory_space<hbm>>
      %dma_wait3A_40 = arith.constant 0 : i32
      %dma_wait3A_41 = arith.constant 0 : i32
      %dma_wait3A_42 = tpu.memref_slice %dma_wait3A_39[%dma_wait3A_40, %dma_wait3A_41] : memref<10240x128xf32, #tpu.memory_space<hbm>> -> memref<128x128xf32, #tpu.memory_space<hbm>>
      tpu.wait_dma2 semaphore(%arg10 : memref<!tpu.dma_semaphore, #tpu.memory_space<semaphore_mem>>) src(%dma_wait3A_42 : memref<128x128xf32, #tpu.memory_space<hbm>>) dst(%arg8 : memref<128x128xf32, #tpu.memory_space<vmem>>)
      %dma_start3A_43 = arith.constant 0 : i32
      %dma_start3A_44 = tpu.memref_slice %arg7[%scan3A_20, %dma_start3A_43] : memref<79x128xi32, #tpu.memory_space<vmem>> -> memref<1x128xi32, #tpu.memory_space<vmem>>
      %dma_start3A_45 = tpu.memref_squeeze %dma_start3A_44 : memref<1x128xi32, #tpu.memory_space<vmem>> -> memref<128xi32, #tpu.memory_space<vmem>>
      %dma_start3A_46 = arith.constant 0 : i32
      %dma_start3A_47 = arith.constant 0 : i32
      %dma_start3A_48 = tpu.memref_slice %arg9[%dma_start3A_46, %dma_start3A_47] : memref<10240x128xf32, #tpu.memory_space<vmem_shared>> -> memref<10240x128xf32, #tpu.memory_space<vmem_shared>>
      tpu.enqueue_indirect_dma source(%arg8 : memref<128x128xf32, #tpu.memory_space<vmem>>) target(%dma_start3A_48 : memref<10240x128xf32, #tpu.memory_space<vmem_shared>>) offsets(%dma_start3A_45 : memref<128xi32, #tpu.memory_space<vmem>>) semaphore(%arg11 : memref<!tpu.dma_semaphore, #tpu.memory_space<semaphore_mem>>) {add = true}
      %dma_wait3A_49 = arith.constant 0 : i32
      %dma_wait3A_50 = arith.constant 0 : i32
      %dma_wait3A_51 = tpu.memref_slice %arg9[%dma_wait3A_49, %dma_wait3A_50] : memref<10240x128xf32, #tpu.memory_space<vmem_shared>> -> memref<128x128xf32, #tpu.memory_space<vmem_shared>>
      %dma_wait3A_52 = arith.constant 0 : i32
      %dma_wait3A_53 = arith.constant 0 : i32
      %dma_wait3A_54 = tpu.memref_slice %arg9[%dma_wait3A_52, %dma_wait3A_53] : memref<10240x128xf32, #tpu.memory_space<vmem_shared>> -> memref<128x128xf32, #tpu.memory_space<vmem_shared>>
      tpu.wait_dma2 semaphore(%arg11 : memref<!tpu.dma_semaphore, #tpu.memory_space<semaphore_mem>>) src(%arg8 : memref<128x128xf32, #tpu.memory_space<vmem>>) dst(%dma_wait3A_54 : memref<128x128xf32, #tpu.memory_space<vmem_shared>>)
    }
    %scan3A_18 = arith.constant 79 : i32
    %barrier3A_19 = arith.constant 0 : index
    tpu.barrier barrier_id(%barrier3A_19)
    "tpu.region"() ({
      %run_scoped3A = tpu.sem_alloc : memref<!tpu.dma_semaphore, #tpu.memory_space<semaphore_mem>>
      %dma_start3A = arith.constant 0 : i32
      %dma_start3A_20 = arith.constant 0 : i32
      %dma_start3A_21 = tpu.memref_slice %arg5[%arg0, %dma_start3A, %dma_start3A_20] : memref<2x10240x128xf32, #tpu.memory_space<hbm>> -> memref<1x10240x128xf32, #tpu.memory_space<hbm>>
      %dma_start3A_22 = tpu.memref_squeeze %dma_start3A_21 : memref<1x10240x128xf32, #tpu.memory_space<hbm>> -> memref<10240x128xf32, #tpu.memory_space<hbm>>
      %dma_start3A_23 = arith.constant 0 : i32
      %dma_start3A_24 = tpu.memref_slice %dma_start3A_22[%mul3A_0, %dma_start3A_23] : memref<10240x128xf32, #tpu.memory_space<hbm>> -> memref<640x128xf32, #tpu.memory_space<hbm>>
      %dma_start3A_25 = arith.constant 0 : i32
      %dma_start3A_26 = tpu.memref_slice %arg9[%mul3A_0, %dma_start3A_25] : memref<10240x128xf32, #tpu.memory_space<vmem_shared>> -> memref<640x128xf32, #tpu.memory_space<vmem_shared>>
      tpu.enqueue_dma source(%dma_start3A_26 : memref<640x128xf32, #tpu.memory_space<vmem_shared>>) target(%dma_start3A_24 : memref<640x128xf32, #tpu.memory_space<hbm>>) target_semaphore(%run_scoped3A : memref<!tpu.dma_semaphore, #tpu.memory_space<semaphore_mem>>)
      %dma_wait3A = arith.constant 0 : i32
      %dma_wait3A_27 = arith.constant 0 : i32
      %dma_wait3A_28 = tpu.memref_slice %arg5[%arg0, %dma_wait3A, %dma_wait3A_27] : memref<2x10240x128xf32, #tpu.memory_space<hbm>> -> memref<1x10240x128xf32, #tpu.memory_space<hbm>>
      %dma_wait3A_29 = tpu.memref_squeeze %dma_wait3A_28 : memref<1x10240x128xf32, #tpu.memory_space<hbm>> -> memref<10240x128xf32, #tpu.memory_space<hbm>>
      %dma_wait3A_30 = arith.constant 0 : i32
      %dma_wait3A_31 = tpu.memref_slice %dma_wait3A_29[%mul3A_0, %dma_wait3A_30] : memref<10240x128xf32, #tpu.memory_space<hbm>> -> memref<640x128xf32, #tpu.memory_space<hbm>>
      %dma_wait3A_32 = arith.constant 0 : i32
      %dma_wait3A_33 = tpu.memref_slice %arg9[%mul3A_0, %dma_wait3A_32] : memref<10240x128xf32, #tpu.memory_space<vmem_shared>> -> memref<640x128xf32, #tpu.memory_space<vmem_shared>>
      tpu.wait_dma2 semaphore(%run_scoped3A : memref<!tpu.dma_semaphore, #tpu.memory_space<semaphore_mem>>) src(%dma_wait3A_33 : memref<640x128xf32, #tpu.memory_space<vmem_shared>>) dst(%dma_wait3A_31 : memref<640x128xf32, #tpu.memory_space<hbm>>)
      tpu.yield
    }) : () -> ()
    return
  }
}

module attributes {stable_mosaic.version = 14 : i64} {
  func.func @body(%arg0: i32, %arg1: memref<2x1024x128xf32, #tpu.memory_space<vmem>>, %arg2: memref<2x128x256xf32, #tpu.memory_space<vmem>>, %arg3: memref<1x256xf32, #tpu.memory_space<vmem>>, %arg4: memref<2x1024x128xf32, #tpu.memory_space<vmem>>) attributes {dimension_semantics = [#tpu.dimension_semantics<arbitrary>], iteration_bounds = array<i64: 10>, scalar_prefetch = 0 : i64, scratch_operands = 0 : i64, tpu.core_type = #tpu.core_type<tc>, window_params = [{transform_indices = @transform_0, window_bounds = array<i64: 2, 1024, 128>}, {pipeline_mode = #tpu.pipeline_mode<synchronous>, transform_indices = @transform_1, window_bounds = array<i64: 2, 128, 256>}, {pipeline_mode = #tpu.pipeline_mode<synchronous>, transform_indices = @transform_2, window_bounds = array<i64: 1, 256>}, {transform_indices = @transform_3, window_bounds = array<i64: 2, 1024, 128>}]} {
    %get3A = arith.constant 0 : index
    %get3A_0 = arith.constant 0 : index
    %get3A_1 = arith.constant 0 : index
    %get3A_2 = vector.load %arg1[%get3A, %get3A_0, %get3A_1] : memref<2x1024x128xf32, #tpu.memory_space<vmem>>, vector<1x1024x128xf32>
    %get3A_3 = vector.shape_cast %get3A_2 : vector<1x1024x128xf32> to vector<1024x128xf32>
    %get3A_4 = arith.constant 0 : index
    %get3A_5 = arith.constant 0 : index
    %get3A_6 = arith.constant 0 : index
    %get3A_7 = vector.load %arg2[%get3A_4, %get3A_5, %get3A_6] : memref<2x128x256xf32, #tpu.memory_space<vmem>>, vector<1x128x256xf32>
    %get3A_8 = vector.shape_cast %get3A_7 : vector<1x128x256xf32> to vector<128x256xf32>
    %dot_general3A = arith.constant dense<0.000000e+00> : vector<1024x256xf32>
    %dot_general3A_9 = tpu.matmul %get3A_3, %get3A_8, %dot_general3A {dimension_numbers = #tpu.dot_dimension_numbers<[1], [0], [0], [1], [0, 0, 1, 1], [], []>, transpose_lhs_hint = false} : vector<1024x128xf32>, vector<128x256xf32>, vector<1024x256xf32> -> vector<1024x256xf32>
    %get3A_10 = arith.constant 1 : index
    %get3A_11 = arith.constant 0 : index
    %get3A_12 = arith.constant 0 : index
    %get3A_13 = vector.load %arg1[%get3A_10, %get3A_11, %get3A_12] : memref<2x1024x128xf32, #tpu.memory_space<vmem>>, vector<1x1024x128xf32>
    %get3A_14 = vector.shape_cast %get3A_13 : vector<1x1024x128xf32> to vector<1024x128xf32>
    %get3A_15 = arith.constant 1 : index
    %get3A_16 = arith.constant 0 : index
    %get3A_17 = arith.constant 0 : index
    %get3A_18 = vector.load %arg2[%get3A_15, %get3A_16, %get3A_17] : memref<2x128x256xf32, #tpu.memory_space<vmem>>, vector<1x128x256xf32>
    %get3A_19 = vector.shape_cast %get3A_18 : vector<1x128x256xf32> to vector<128x256xf32>
    %dot_general3A_20 = arith.constant dense<0.000000e+00> : vector<1024x256xf32>
    %dot_general3A_21 = tpu.matmul %get3A_14, %get3A_19, %dot_general3A_20 {dimension_numbers = #tpu.dot_dimension_numbers<[1], [0], [0], [1], [0, 0, 1, 1], [], []>, transpose_lhs_hint = false} : vector<1024x128xf32>, vector<128x256xf32>, vector<1024x256xf32> -> vector<1024x256xf32>
    %add3A = arith.addf %dot_general3A_9, %dot_general3A_21 : vector<1024x256xf32>
    %get3A_22 = arith.constant 0 : index
    %get3A_23 = arith.constant 0 : index
    %get3A_24 = vector.load %arg3[%get3A_22, %get3A_23] : memref<1x256xf32, #tpu.memory_space<vmem>>, vector<1x256xf32>
    %add3A_25 = vector.broadcast %get3A_24 : vector<1x256xf32> to vector<1024x256xf32>
    %add3A_26 = arith.addf %add3A, %add3A_25 : vector<1024x256xf32>
    %max3A = arith.constant 0.000000e+00 : f32
    %max3A_27 = vector.broadcast %max3A : f32 to vector<1024x256xf32>
    %max3A_28 = arith.maximumf %add3A_26, %max3A_27 : vector<1024x256xf32>
    %slice3A = vector.extract_strided_slice %max3A_28 {offsets = [0, 0], sizes = [1024, 128], strides = [1, 1]} : vector<1024x256xf32> to vector<1024x128xf32>
    %swap3A = arith.constant 0 : index
    %swap3A_29 = arith.constant 0 : index
    %swap3A_30 = arith.constant 0 : index
    %swap3A_31 = vector.load %arg4[%swap3A, %swap3A_29, %swap3A_30] : memref<2x1024x128xf32, #tpu.memory_space<vmem>>, vector<1x1024x128xf32>
    %swap3A_32 = vector.shape_cast %swap3A_31 : vector<1x1024x128xf32> to vector<1024x128xf32>
    %swap3A_33 = vector.shape_cast %slice3A : vector<1024x128xf32> to vector<1x1024x128xf32>
    tpu.vector_store %arg4[%swap3A, %swap3A_29, %swap3A_30], %swap3A_33 {strides = array<i32>} : memref<2x1024x128xf32, #tpu.memory_space<vmem>>, vector<1x1024x128xf32>,
    %slice3A_34 = vector.extract_strided_slice %max3A_28 {offsets = [0, 128], sizes = [1024, 128], strides = [1, 1]} : vector<1024x256xf32> to vector<1024x128xf32>
    %swap3A_35 = arith.constant 1 : index
    %swap3A_36 = arith.constant 0 : index
    %swap3A_37 = arith.constant 0 : index
    %swap3A_38 = vector.load %arg4[%swap3A_35, %swap3A_36, %swap3A_37] : memref<2x1024x128xf32, #tpu.memory_space<vmem>>, vector<1x1024x128xf32>
    %swap3A_39 = vector.shape_cast %swap3A_38 : vector<1x1024x128xf32> to vector<1024x128xf32>
    %swap3A_40 = vector.shape_cast %slice3A_34 : vector<1024x128xf32> to vector<1x1024x128xf32>
    tpu.vector_store %arg4[%swap3A_35, %swap3A_36, %swap3A_37], %swap3A_40 {strides = array<i32>} : memref<2x1024x128xf32, #tpu.memory_space<vmem>>, vector<1x1024x128xf32>,
    return
  }
  func.func @transform_0(%arg0: i32) -> (i32, i32, i32) {
    %c0_i32 = arith.constant 0 : i32
    %c0_i32_0 = arith.constant 0 : i32
    %c0_i32_1 = arith.constant 0 : i32
    return %c0_i32, %arg0, %c0_i32_0 : i32, i32, i32
  }
  func.func @transform_1(%arg0: i32) -> (i32, i32, i32) {
    %c0_i32 = arith.constant 0 : i32
    %c0_i32_0 = arith.constant 0 : i32
    %c0_i32_1 = arith.constant 0 : i32
    %c0_i32_2 = arith.constant 0 : i32
    return %c0_i32, %c0_i32_0, %c0_i32_1 : i32, i32, i32
  }
  func.func @transform_2(%arg0: i32) -> (i32, i32) {
    %c0_i32 = arith.constant 0 : i32
    %c0_i32_0 = arith.constant 0 : i32
    %c0_i32_1 = arith.constant 0 : i32
    return %c0_i32, %c0_i32_0 : i32, i32
  }
  func.func @transform_3(%arg0: i32) -> (i32, i32, i32) {
    %c0_i32 = arith.constant 0 : i32
    %c0_i32_0 = arith.constant 0 : i32
    %c0_i32_1 = arith.constant 0 : i32
    return %c0_i32, %arg0, %c0_i32_0 : i32, i32, i32
  }
}

module attributes {stable_mosaic.version = 14 : i64} {
  func.func @body(%arg0: i32, %arg1: memref<2x1024x128xf32, #tpu.memory_space<vmem>>, %arg2: memref<2x128x256xf32, #tpu.memory_space<vmem>>, %arg3: memref<1x256xf32, #tpu.memory_space<vmem>>, %arg4: memref<1024x256xf32, #tpu.memory_space<vmem>>) attributes {dimension_semantics = [#tpu.dimension_semantics<arbitrary>], iteration_bounds = array<i64: 10>, scalar_prefetch = 0 : i64, scratch_operands = 0 : i64, tpu.core_type = #tpu.core_type<tc>, window_params = [{transform_indices = @transform_0, window_bounds = array<i64: 2, 1024, 128>}, {pipeline_mode = #tpu.pipeline_mode<synchronous>, transform_indices = @transform_1, window_bounds = array<i64: 2, 128, 256>}, {pipeline_mode = #tpu.pipeline_mode<synchronous>, transform_indices = @transform_2, window_bounds = array<i64: 1, 256>}, {transform_indices = @transform_3, window_bounds = array<i64: 1024, 256>}]} {
    %get3A = arith.constant 0 : index
    %get3A_0 = arith.constant 0 : index
    %get3A_1 = arith.constant 0 : index
    %get3A_2 = vector.load %arg1[%get3A, %get3A_0, %get3A_1] : memref<2x1024x128xf32, #tpu.memory_space<vmem>>, vector<1x1024x128xf32>
    %get3A_3 = vector.shape_cast %get3A_2 : vector<1x1024x128xf32> to vector<1024x128xf32>
    %get3A_4 = arith.constant 0 : index
    %get3A_5 = arith.constant 0 : index
    %get3A_6 = arith.constant 0 : index
    %get3A_7 = vector.load %arg2[%get3A_4, %get3A_5, %get3A_6] : memref<2x128x256xf32, #tpu.memory_space<vmem>>, vector<1x128x256xf32>
    %get3A_8 = vector.shape_cast %get3A_7 : vector<1x128x256xf32> to vector<128x256xf32>
    %dot_general3A = arith.constant dense<0.000000e+00> : vector<1024x256xf32>
    %dot_general3A_9 = tpu.matmul %get3A_3, %get3A_8, %dot_general3A {dimension_numbers = #tpu.dot_dimension_numbers<[1], [0], [0], [1], [0, 0, 1, 1], [], []>, transpose_lhs_hint = false} : vector<1024x128xf32>, vector<128x256xf32>, vector<1024x256xf32> -> vector<1024x256xf32>
    %get3A_10 = arith.constant 1 : index
    %get3A_11 = arith.constant 0 : index
    %get3A_12 = arith.constant 0 : index
    %get3A_13 = vector.load %arg1[%get3A_10, %get3A_11, %get3A_12] : memref<2x1024x128xf32, #tpu.memory_space<vmem>>, vector<1x1024x128xf32>
    %get3A_14 = vector.shape_cast %get3A_13 : vector<1x1024x128xf32> to vector<1024x128xf32>
    %get3A_15 = arith.constant 1 : index
    %get3A_16 = arith.constant 0 : index
    %get3A_17 = arith.constant 0 : index
    %get3A_18 = vector.load %arg2[%get3A_15, %get3A_16, %get3A_17] : memref<2x128x256xf32, #tpu.memory_space<vmem>>, vector<1x128x256xf32>
    %get3A_19 = vector.shape_cast %get3A_18 : vector<1x128x256xf32> to vector<128x256xf32>
    %dot_general3A_20 = arith.constant dense<0.000000e+00> : vector<1024x256xf32>
    %dot_general3A_21 = tpu.matmul %get3A_14, %get3A_19, %dot_general3A_20 {dimension_numbers = #tpu.dot_dimension_numbers<[1], [0], [0], [1], [0, 0, 1, 1], [], []>, transpose_lhs_hint = false} : vector<1024x128xf32>, vector<128x256xf32>, vector<1024x256xf32> -> vector<1024x256xf32>
    %add3A = arith.addf %dot_general3A_9, %dot_general3A_21 : vector<1024x256xf32>
    %get3A_22 = arith.constant 0 : index
    %get3A_23 = arith.constant 0 : index
    %get3A_24 = vector.load %arg3[%get3A_22, %get3A_23] : memref<1x256xf32, #tpu.memory_space<vmem>>, vector<1x256xf32>
    %add3A_25 = vector.broadcast %get3A_24 : vector<1x256xf32> to vector<1024x256xf32>
    %add3A_26 = arith.addf %add3A, %add3A_25 : vector<1024x256xf32>
    %swap3A = arith.constant 0 : index
    %swap3A_27 = arith.constant 0 : index
    %swap3A_28 = vector.load %arg4[%swap3A, %swap3A_27] : memref<1024x256xf32, #tpu.memory_space<vmem>>, vector<1024x256xf32>
    tpu.vector_store %arg4[%swap3A, %swap3A_27], %add3A_26 {strides = array<i32>} : memref<1024x256xf32, #tpu.memory_space<vmem>>, vector<1024x256xf32>,
    return
  }
  func.func @transform_0(%arg0: i32) -> (i32, i32, i32) {
    %c0_i32 = arith.constant 0 : i32
    %c0_i32_0 = arith.constant 0 : i32
    %c0_i32_1 = arith.constant 0 : i32
    return %c0_i32, %arg0, %c0_i32_0 : i32, i32, i32
  }
  func.func @transform_1(%arg0: i32) -> (i32, i32, i32) {
    %c0_i32 = arith.constant 0 : i32
    %c0_i32_0 = arith.constant 0 : i32
    %c0_i32_1 = arith.constant 0 : i32
    %c0_i32_2 = arith.constant 0 : i32
    return %c0_i32, %c0_i32_0, %c0_i32_1 : i32, i32, i32
  }
  func.func @transform_2(%arg0: i32) -> (i32, i32) {
    %c0_i32 = arith.constant 0 : i32
    %c0_i32_0 = arith.constant 0 : i32
    %c0_i32_1 = arith.constant 0 : i32
    return %c0_i32, %c0_i32_0 : i32, i32
  }
  func.func @transform_3(%arg0: i32) -> (i32, i32) {
    %c0_i32 = arith.constant 0 : i32
    %c0_i32_0 = arith.constant 0 : i32
    return %arg0, %c0_i32 : i32, i32
  }
}

</mosaic_0001>

<sc_bundles>
// kernel: kernel.6.cloned.1.call-start
scs
__scs_entry_jumppad:
0x0: {  	(pc) =	sbr.rel $0x88, $3  }
0x1: {  	(tag) =	ssettag $0x0;
	lr =	simm.s32 $0x1  }
0x2: {  	[smem:$0x3F9B] =	sst lr;
	_ =	strace $0xD0000000  }
0x3: {  	_ = 	snop  }
0x4: {  	_ = 	snop  }
0x5: {  	_ = 	snop  }
0x6: {  	_ = 	snop  }
0x7: {  	_ = 	snop  }
__scs_overlays_trampoline_lowered:
0x8: {  	[smem:$0x3FAA] =	sst s0  }
0x9: {  	[smem:$0x3FAB] =	sst s1  }
0xa: {  	[smem:$0x3FAC] =	sst s2  }
0xb: {  	[smem:$0x3FAD] =	sst s3  }
0xc: {  	[smem:$0x3FAE] =	sst s4  }
0xd: {  	[smem:$0x3FAF] =	sst s5  }
0xe: {  	[smem:$0x3FB0] =	sst s6  }
0xf: {  	[smem:$0x3FB1] =	sst s7  }
0x10: {  	[smem:$0x3FB2] =	sst s8  }
0x11: {  	[smem:$0x3FB3] =	sst s9;
	s0 =	simm.s32 @!p0 $0x0  }
0x12: {  	s1 =	sld [smem:$0x3F99];
	s0 =	simm.s32 @p0 $0x1  }
0x13: {  	[smem:$0x3FB4] =	sst s0;
	s0 =	simm.s32 @!p1 $0x0  }
0x14: {  	s2 =	sld [smem:$0x3F98];
	s0 =	simm.s32 @p1 $0x1  }
0x15: {  	[smem:$0x3FB5] =	sst s0;
	s0 =	simm.s32 @!p2 $0x0  }
0x16: {  	s3 =	sld [smem:$0x3FDB];
	s0 =	simm.s32 @p2 $0x1  }
0x17: {  	s4 =	simm.s32 $0x1BF5;
	[smem:$0x3FB7] =	sst s0  }
0x18: {  	s0 =	sld [smem:$0x3F9A];
	_ =	swait.ge [sflag:s4], $0x0  }
0x19: {  	s7 =	sld [smem:$0x3F9B]  }
0x1a: {  	s8 =	sadd.s32 $0xFFFFE003, lr  }
0x1b: {  	s9 =	sadd.s32 $0xFFFFFEF7, lr;
	s5 =	simm.s32 $0xFFFFFFFF;
	p2 =	slt.u32 s8, $0xFFFFF086  }
0x1c: {  	p1 =	slt.u32 s9, $0xF7A;
	s5 =	simm.s32 @!p2 $0x0  }
0x1d: {  	s5 =	simm.s32 @p1 $0x1;
	p0 =	seq.s32 s7, s2  }
0x1e: {  	s7 =	smul.u32 @!p0 $0xF7A, s2;
	p2 =	seq.s32 @!p0 s5, $0x0  }
0x1f: {  	s9 =	smul.u32 $0xF7A, s1;
	s8 =	simm.s32 @!p0 $0x1BF5;
	p2 =	por !p2, p0  }
0x20: {  	[sflag:s8] =	ssyncset.s32 @!p0 $0xFFFFF086;
	s6 =	sadd.s32 @!p0 s3, s7;
	s7 =	simm.s32 @!p0 $0x108  }
0x21: {  	s3 =	sadd.s32 s3, s9;
	s6 =	sadd.s32 @!p0 $0x88, s6;
	s7 =	simm.s32 @p2 $0x1082  }
0x22: {  	[simem:s7], [sflag:s8] =	dma.local @!p0 [hbm:s6], $0xF7A  }
0x23: {  	s9 =	sor.u32 $0xD0000000, s2;
	s6 =	simm.s32 $0x108;
	_ =	swait.ge @!p0 [sflag:s8], $0x0  }
0x24: {  	s3 =	sadd.s32 $0x88, s3;
	s6 =	simm.s32 @!p1 $0x1082;
	[sflag:s4] =	ssyncset.s32 $0xFFFFF086  }
0x25: {  	[simem:s6], [sflag:s4] =	dma.local [hbm:s3], $0xF7A  }
0x26: {  	[smem:$0x3F9B] =	sst s1;
	(tag) =	ssettag s2;
	_ =	strace s9  }
0x27: {  	s1 =	sld [smem:$0x3FAB]  }
0x28: {  	s2 =	sld [smem:$0x3FAC]  }
0x29: {  	s4 =	sld [smem:$0x3FAE]  }
0x2a: {  	p0 =	seq.s32 s5, $0x0;
	s5 =	sld [smem:$0x3FAF]  }
0x2b: {  	s6 =	sld [smem:$0x3FB0]  }
0x2c: {  	s7 =	sld [smem:$0x3FB1]  }
0x2d: {  	s3 =	simm.s32 $0x108;
	s8 =	sld [smem:$0x3FB2]  }
0x2e: {  	s3 =	simm.s32 @!p0 $0x1082;
	s9 =	sld [smem:$0x3FB3]  }
0x2f: {  	lr =	sadd.s32 s0, s3;
	s0 =	sld [smem:$0x3FAA]  }
0x30: {  	s3 =	sld [smem:$0x3FAD]  }
0x31: {  	[smem:$0x3FB6] =	sst s10  }
0x32: {  	s10 =	sld [smem:$0x3FB4];
	_ =	sdelay $0x3  }
0x33: {  	p0 =	seq.s32 s10, $0x1;
	s10 =	sld [smem:$0x3FB6];
	_ =	sdelay $0x3  }
0x34: {  	[smem:$0x3FB6] =	sst s10  }
0x35: {  	s10 =	sld [smem:$0x3FB5];
	_ =	sdelay $0x3  }
0x36: {  	p1 =	seq.s32 s10, $0x1;
	s10 =	sld [smem:$0x3FB6];
	_ =	sdelay $0x3  }
0x37: {  	[smem:$0x3FB6] =	sst s10  }
0x38: {  	s10 =	sld [smem:$0x3FB7]  }
0x39: {  	_ = 	snop;
	(pc) =	sbr.ind lr, $3  }
0x3a: {  	_ = 	snop  }
0x3b: {  	_ = 	snop  }
0x3c: {  	p2 =	seq.s32 s10, $0x1;
	s10 =	sld [smem:$0x3FB6]  }
0x3d: {  	_ =	shalt  }
0x3e: {  	_ =	shalt  }
0x3f: {  	_ =	shalt  }
0x40: {  	_ =	shalt  }
0x41: {  	_ =	shalt  }
0x42: {  	_ =	shalt  }
0x43: {  	_ =	shalt  }
0x44: {  	_ =	shalt  }
0x45: {  	_ =	shalt  }
0x46: {  	_ =	shalt  }
0x47: {  	_ =	shalt  }
0x48: {  	_ =	shalt  }
0x49: {  	_ =	shalt  }
0x4a: {  	_ =	shalt  }
0x4b: {  	_ =	shalt  }
0x4c: {  	_ =	shalt  }
0x4d: {  	_ =	shalt  }
0x4e: {  	_ =	shalt  }
0x4f: {  	_ =	shalt  }
0x50: {  	_ =	shalt  }
0x51: {  	_ =	shalt  }
0x52: {  	_ =	shalt  }
0x53: {  	_ =	shalt  }
0x54: {  	_ =	shalt  }
0x55: {  	_ =	shalt  }
0x56: {  	_ =	shalt  }
0x57: {  	_ =	shalt  }
0x58: {  	_ =	shalt  }
0x59: {  	_ =	shalt  }
0x5a: {  	_ =	shalt  }
0x5b: {  	_ =	shalt  }
0x5c: {  	_ =	shalt  }
0x5d: {  	_ =	shalt  }
0x5e: {  	_ =	shalt  }
0x5f: {  	_ =	shalt  }
0x60: {  	_ =	shalt  }
0x61: {  	_ =	shalt  }
0x62: {  	_ =	shalt  }
0x63: {  	_ =	shalt  }
0x64: {  	_ =	shalt  }
0x65: {  	_ =	shalt  }
0x66: {  	_ =	shalt  }
0x67: {  	_ =	shalt  }
0x68: {  	_ =	shalt  }
0x69: {  	_ =	shalt  }
0x6a: {  	_ =	shalt  }
0x6b: {  	_ =	shalt  }
0x6c: {  	_ =	shalt  }
0x6d: {  	_ =	shalt  }
0x6e: {  	_ =	shalt  }
0x6f: {  	_ =	shalt  }
0x70: {  	_ =	shalt  }
0x71: {  	_ =	shalt  }
0x72: {  	_ =	shalt  }
0x73: {  	_ =	shalt  }
0x74: {  	_ =	shalt  }
0x75: {  	_ =	shalt  }
0x76: {  	_ =	shalt  }
0x77: {  	_ =	shalt  }
0x78: {  	_ =	shalt  }
0x79: {  	_ =	shalt  }
0x7a: {  	_ =	shalt  }
0x7b: {  	_ =	shalt  }
0x7c: {  	_ =	shalt  }
0x7d: {  	_ =	shalt  }
0x7e: {  	_ =	shalt  }
0x7f: {  	_ =	shalt  }
0x80: {  	_ =	shalt  }
0x81: {  	_ =	shalt  }
0x82: {  	_ =	shalt  }
0x83: {  	_ =	shalt  }
0x84: {  	_ =	shalt  }
0x85: {  	_ =	shalt  }
0x86: {  	_ =	shalt  }
0x87: {  	_ =	shalt  }
.Lfunc_end0:
.L_simem_size_0:
called_computation_lowered:
.L_overlay_start_0:
0x88: {  	s2 =	sld [smem:$0x3FD9]  }
0x89: {  	s3 =	sld [smem:$0x3FFE];
	_ =	sdelay $0x1  }
0x8a: {  	s1 =	srdreg.scid  }
0x8b: {  	s0 =	sand.u32 $0x1, s1  }
0x8c: {  	s17 =	sshll.u32 s0, $0xA;
	s2 =	sadd.s32 s3, s2  }
0x8d: {  	s2 =	sadd.s32 s2, s17  }
0x8e: {  	[smem:$0x3FC2] =	sst s2  }
0x8f: {  	_ = 	snop  }
0x90: {  	s2 =	sld [smem:$0x3FD0];
	(tm) =	ssettm $0x1  }
0x91: {  	s18 =	sld [smem:$0x3FFB];
	_ =	sdelay $0x3  }
0x92: {  	_ =	strace s18  }
0x93: {  	s3 =	sld [smem:$0x3FFC];
	_ =	sdelay $0x3  }
0x94: {  	_ =	strace s3  }
0x95: {  	s3 =	sld [smem:$0x3FFD];
	_ =	sdelay $0x3  }
0x96: {  	_ =	strace s3  }
0x97: {  	_ =	strace $0x8FFFFFFF  }
0x98: {  	s19 =	sld [smem:$0x3FDB];
	_ =	sdelay $0x1  }
0x99: {  	s4 =	simm.s32 $_scs_section_size  }
0x9a: {  	s5 =	simm.s32 $_size__tile_overlayer_lowered;
	s6 =	simm.s32 $_tile_overlayer_lowered  }
0x9b: {  	s22 =	simm.s32 $0x1BFF;
	s21 =	sshll.u32 s6, $0x1;
	s3 =	sadd.s32 s4, s19  }
0x9c: {  	s7 =	simm.s32 $0x0;
	s20 =	sshll.u32 s5, $0x1;
	s5 =	sadd.s32 s21, s3  }
0x9d: {  	[timem:s7], [sflag:s22] =	dma.local [hbm:s5], s20  }
0x9e: {  	_ =	swait.ge [sflag:s22], s20  }
0x9f: {  	s4 =	ssub.s32 $0x0, s20;
	[sflag:s22] =	ssyncset.done $0x0  }
0xa0: {  	[sflag:s22] =	ssyncadd.s32 s4;
	_ =	sdelay $0x1  }
0xa1: {  	s23 =	simm.s32 $0x1B8B  }
0xa2: {  	_ =	swait.ge [sflag:s23], $0x1  }
0xa3: {  	[sflag:s23] =	ssyncset.done $0x0  }
0xa4: {  	s25 =	simm.s32 $0x1B8E;
	s24 =	sld [smem:$0x3FFE];
	[sflag:s23] =	ssyncadd.s32 $0xFFFFFFFF  }
0xa5: {  	s26 =	simm.s32 $execute0_lowered;
	[smem:$0x3FD2] =	sst s25  }
0xa6: {  	s5 =	sshll.u32 s26, $0x1;
	_ =	strace $0x80000046;
	[dreg:$0x1] =	wrdreg $0xFFFFFFFF  }
0xa7: {  	s28 =	simm.s32 $_size_execute0_lowered;
	s3 =	sadd.s32 s3, s5;
	[dreg:$0x0] =	wrdreg $0x0  }
0xa8: {  	s5 =	sshll.u32 s28, $0x1;
	[dreg:$0x2] =	wrdreg s3  }
0xa9: {  	[dreg:$0x3] =	wrdreg s5  }
0xaa: {  	[dreg:$0x4] =	wrdreg $0xC0  }
0xab: {  	_ =	task [dreg:s7], $0x5FFFF  }
0xac: {  	[dreg:$0x1] =	wrdreg $0xFFFFFFFF  }
0xad: {  	[dreg:$0x0] =	wrdreg $0x60  }
0xae: {  	[dreg:$0x2] =	wrdreg s24  }
0xaf: {  	[dreg:$0x3] =	wrdreg s2  }
0xb0: {  	[dreg:$0x4] =	wrdreg $0x90000  }
0xb1: {  	[dreg:$0x5] =	wrdreg $0x9  }
0xb2: {  	_ =	task.clear_ibuf [dreg:s7], $0x6FFFF;
	_ =	strace $0x90000046  }
0xb3: {  	s29 =	simm.s32 $0x9;
	_ =	strace $0x80000048  }
0xb4: {  	_ =	swait.ge [sflag:s29], $0x1  }
0xb5: {  	[sflag:s29] =	ssyncadd.s32 $0xFFFFFFFF  }
0xb6: {  	_ =	strace $0x90000048  }
0xb7: {  	_ =	sfence  }
0xb8: {  	s30 =	sld [smem:$0x0];
	_ =	sdelay $0x2  }
0xb9: {  	s31 =	sshll.u32 s1, $0xD;
	s1 =	sshrl.u32 s1, $0x2  }
0xba: {  	s3 =	sand.u32 $0x4000, s31;
	s1 =	sadd.s32 s1, s30  }
0xbb: {  	s0 =	sor.u32 s3, s0;
	s1 =	sshll.u32 s1, $0x11  }
0xbc: {  	s0 =	sor.u32 s1, s0  }
0xbd: {  	s0 =	sadd.s32 $0x8F2B, s0  }
0xbe: {  	[sflag:s0] =	ssyncadd.remote.s32 $0x1  }
0xbf: {  	_ =	sfence.sel $0xFFFF  }
0xc0: {  	[dreg:$0x0] =	wrdreg $0xFFFFFFFF;
	(pc) =	sbr.abs _section_cstart, $3  }
0xc1: {  	[dreg:$0x1] =	wrdreg $0xFFFFFFFF  }
0xc2: {  	_ =	task.clear_ibuf [dreg:s7], $0x2FFFF;
	_ =	strace $0x9FFFFFFF  }
0xc3: {  	(tm) =	ssettm $0x7FFFFFFF  }
tec
execute0_lowered:
.L_overlay_start_1:
0x0: {  	(tag) =	ssettag $0x1  }
0x1: {  	s4 =	rddreg [dreg:$0x0]  }
0x2: {  	s5 =	rddreg [dreg:$0x1];
	s0 =	stileid.u32  }
0x3: {  	s1 =	srdreg.scid;
	s2 =	rddreg [dreg:$0x2];
	s3 =	simm.s32 $0x0  }
0x4: {  	s13 =	simm.s32 $0x5000;
	s14 =	simm.s32 $0x3;
	s15 =	simm.s32 $0x2800  }
0x5: {  	s16 =	simm.s32 $0x80;
	s17 =	simm.s32 $0x1;
	s6 =	smul.u32 $0x500, s0  }
0x6: {  	s7 =	sand.u32 $0x1, s1;
	s1 =	rddreg [dreg:$0x3];
	s9 =	smul.u32 $0x50000, s0  }
0x7: {  	[smem:$0x7FF] =	sst s3;
	s19 =	smul.u32 $0x2800, s0;
	s20 =	sshll.u32 s0, $0x6  }
0x8: {  	s8 =	smul.u32 $0x28000, s7;
	_ =	strace $0x80000047;
	s7 =	ssub.s32 $0x2, s7  }
0x9: {  	s20 =	sor.u32 $0x1C03, s20;
	s10 =	sadd.s32 s6, s4;
	s31 =	sshrl.u32 s7, $0x1  }
0xa: {  	s9 =	sshrl.u32 s9, $0x2;
	s5 =	sadd.s32 s5, s6;
	s8 =	sadd.s32 s8, s4  }
0xb: {  	s11 =	ssub.s32 s7, s31;
	s4 =	sadd.s32 s9, s2;
	s6 =	sadd.s32 $0xE00, s10  }
0xc: {  	s7 =	sadd.s32 $0x5E00, s8;
	s18 =	sadd.s32 $0x55E00, s8;
	s8 =	smax.u32 s11, $0x1  }
0xd: {  	s9 =	sadd.s32 $0x4000, s4;
	s10 =	sadd.s32 $0x8000, s4;
	s11 =	sadd.s32 $0xC000, s4  }
0xe: {  	v0 =	vimm.f32 $0.0e+00;
	s12 =	sadd.s32 $0x10000, s4;
	s18 =	sadd.s32 s19, s18;
	s19 =	simm.s32 $0x2  }
.LBB2_1:
0xf: {  	s21 =	simm.s32 $0x0;
	s22 =	simm.s32 $0x200  }
.LBB2_2:
0x10: {  	p0 =	sne.s32 s22, $0xFE00;
	[tilespmem:s21+$0x5070] =	vst v0  }
0x11: {  	[tilespmem:s21+$0x5000] =	vst v0  }
0x12: {  	[tilespmem:s21+$0x5010] =	vst v0  }
.Ltmp0:
0x13: {  	[tilespmem:s21+$0x5020] =	vst v0;
	(pc) =	sbr.rel @p0 .LBB2_2-.Ltmp0, $4  }
0x14: {  	[tilespmem:s21+$0x5030] =	vst v0  }
0x15: {  	[tilespmem:s21+$0x5040] =	vst v0  }
0x16: {  	[tilespmem:s21+$0x5050] =	vst v0  }
0x17: {  	[tilespmem:s21+$0x5060] =	vst v0;
	s21 =	sshra.s32 s22, $0x2;
	s22 =	sadd.s32 $0x200, s22  }
0x18: {  	[tilespmem:s21+$0x5070] =	vst v0  }
0x19: {  	[tilespmem:s21+$0x5000] =	vst v0  }
0x1a: {  	[tilespmem:s21+$0x5010] =	vst v0  }
0x1b: {  	[tilespmem:s21+$0x5020] =	vst v0  }
0x1c: {  	[tilespmem:s21+$0x5030] =	vst v0  }
0x1d: {  	[tilespmem:s21+$0x5040] =	vst v0  }
0x1e: {  	[tilespmem:s21+$0x5050] =	vst v0  }
0x1f: {  	[tilespmem:s21+$0x5060] =	vst v0  }
0x20: {  	[spmem:s4] =	stream.linear.scatter [tilespmem:s13], [sflag:$0x3], $0x4000, $0x38;
	[tilespmem:$0x1D000] =	vst v63  }
0x21: {  	_ =	swait.ge [sflag:s14], $0x4000  }
0x22: {  	[sflag:s14] =	ssyncset.done $0x0  }
0x23: {  	[sflag:s14] =	ssyncadd.s32 $0xFFFFC000  }
0x24: {  	[spmem:s9] =	stream.linear.scatter [tilespmem:s13], [sflag:$0x3], $0x4000, $0x38;
	[tilespmem:$0x1D000] =	vst v63  }
0x25: {  	_ =	swait.ge [sflag:s14], $0x4000  }
0x26: {  	[sflag:s14] =	ssyncset.done $0x0  }
0x27: {  	[sflag:s14] =	ssyncadd.s32 $0xFFFFC000  }
0x28: {  	[spmem:s10] =	stream.linear.scatter [tilespmem:s13], [sflag:$0x3], $0x4000, $0x38;
	[tilespmem:$0x1D000] =	vst v63  }
0x29: {  	_ =	swait.ge [sflag:s14], $0x4000  }
0x2a: {  	[sflag:s14] =	ssyncset.done $0x0  }
0x2b: {  	[sflag:s14] =	ssyncadd.s32 $0xFFFFC000  }
0x2c: {  	[spmem:s11] =	stream.linear.scatter [tilespmem:s13], [sflag:$0x3], $0x4000, $0x38;
	[tilespmem:$0x1D000] =	vst v63  }
0x2d: {  	_ =	swait.ge [sflag:s14], $0x4000  }
0x2e: {  	[sflag:s14] =	ssyncset.done $0x0  }
0x2f: {  	[sflag:s14] =	ssyncadd.s32 $0xFFFFC000  }
0x30: {  	[spmem:s12] =	stream.linear.scatter [tilespmem:s13], [sflag:$0x3], $0x4000, $0x38;
	[tilespmem:$0x1D000] =	vst v63  }
0x31: {  	_ =	swait.ge [sflag:s14], $0x4000  }
0x32: {  	[sflag:s14] =	ssyncset.done $0x0  }
0x33: {  	[sflag:s14] =	ssyncadd.s32 $0xFFFFC000  }
0x34: {  	s29 =	simm.s32 $0x0;
	[bflag:$0x0] =	sbarrier.arrive $0xFFFF  }
0x35: {  	[tilespmem:s29], [sflag:$0x3] =	stream.linear.gather [hbm4b:s5+s29], $0x2780, $0x38;
	[tilespmem:$0x1D000] =	vst v63  }
0x36: {  	_ =	swait.ge [sflag:s14], $0x2780  }
0x37: {  	[sflag:s14] =	ssyncset.done $0x0  }
0x38: {  	[sflag:s14] =	ssyncadd.s32 $0xFFFFD880  }
0x39: {  	[tilespmem:s15], [sflag:$0x3] =	stream.linear.gather [hbm4b:s6+s29], $0x2780, $0x38;
	[tilespmem:$0x1D000] =	vst v63  }
0x3a: {  	_ =	swait.ge [sflag:s14], $0x2780  }
0x3b: {  	[sflag:s14] =	ssyncset.done $0x0  }
0x3c: {  	s30 =	simm.s32 $0x0;
	[sflag:s14] =	ssyncadd.s32 $0xFFFFD880  }
0x3d: {  	[tilespmem:s13], [sflag:$0x1] =	stream.indirect.gather [hbm4b:s7+s16], $0x80, s30, s16, $0xb8;
	[tilespmem:$0x1D000] =	vst v63  }
0x3e: {  	_ =	swait.ge [sflag:s17], $0x4000  }
0x3f: {  	[sflag:s17] =	ssyncset.done $0x0  }
0x40: {  	s31 =	simm.s32 $0x2800;
	[sflag:s17] =	ssyncadd.s32 $0xFFFFC000  }
0x41: {  	[spmem:s2] =	stream.indirect.scatter.add.f32 [tilespmem:s13], [sflag:$0x2], $0x80, s31, s16, $0xb8;
	[tilespmem:$0x1D000] =	vst v63  }
0x42: {  	_ =	swait.ge [sflag:s19], $0x4000  }
0x43: {  	s21 =	simm.s32 $0x200;
	s22 =	simm.s32 $0x400;
	[sflag:s19] =	ssyncset.done $0x0  }
.LBB2_4:
0x44: {  	s23 =	sshra.s32 s21, $0x2  }
0x45: {  	[sflag:s19] =	ssyncadd.s32 $0xFFFFC000;
	s21 =	smov.u32 s22;
	s24 =	sadd.s32 $0x200, s22  }
0x46: {  	[tilespmem:s13], [sflag:$0x1] =	stream.indirect.gather [hbm4b:s7+s16], $0x80, s23, s16, $0xb8;
	[tilespmem:$0x1D000] =	vst v63  }
0x47: {  	p0 =	sne.s32 s22, $0x9C00;
	_ =	swait.ge [sflag:s17], $0x4000  }
.Ltmp1:
0x48: {  	[sflag:s17] =	ssyncset.done $0x0;
	(pc) =	sbr.rel @p0 .LBB2_4-.Ltmp1, $4  }
0x49: {  	s22 =	sadd.s32 $0x2800, s23;
	[sflag:s17] =	ssyncadd.s32 $0xFFFFC000  }
0x4a: {  	[spmem:s2] =	stream.indirect.scatter.add.f32 [tilespmem:s13], [sflag:$0x2], $0x80, s22, s16, $0xb8;
	[tilespmem:$0x1D000] =	vst v63  }
0x4b: {  	_ =	swait.ge [sflag:s19], $0x4000  }
0x4c: {  	s22 =	smov.u32 s24;
	[sflag:s19] =	ssyncset.done $0x0  }
0x4d: {  	s21 =	sshra.s32 s21, $0x2;
	[sflag:s19] =	ssyncadd.s32 $0xFFFFC000  }
0x4e: {  	[tilespmem:s13], [sflag:$0x1] =	stream.indirect.gather [hbm4b:s7+s16], $0x80, s21, s16, $0xb8;
	[tilespmem:$0x1D000] =	vst v63  }
0x4f: {  	_ =	swait.ge [sflag:s17], $0x4000  }
0x50: {  	[sflag:s17] =	ssyncset.done $0x0  }
0x51: {  	s21 =	sadd.s32 $0x2800, s21;
	[sflag:s17] =	ssyncadd.s32 $0xFFFFC000  }
0x52: {  	[spmem:s2] =	stream.indirect.scatter.add.f32 [tilespmem:s13], [sflag:$0x2], $0x80, s21, s16, $0xb8;
	[tilespmem:$0x1D000] =	vst v63  }
0x53: {  	_ =	swait.ge [sflag:s19], $0x4000  }
0x54: {  	s3 =	sadd.s32 $0x1, s3;
	[sflag:s19] =	ssyncset.done $0x0  }
0x55: {  	p0 =	sne.s32 s3, s8;
	[sflag:s19] =	ssyncadd.s32 $0xFFFFC000  }
.Ltmp2:
0x56: {  	s31 =	sshrl.u32 s4, $0x3;
	[bflag:$0x0] =	sbarrier.arrive $0xFFFF;
	(pc) =	sbr.rel @p0 .LBB2_1-.Ltmp2, $4  }
0x57: {  	[hbm:s18], [sflag:s20] =	dma.local [spmem:s31], $0x2800  }
0x58: {  	_ =	swait.ge [sflag:s14], $0x2800  }
0x59: {  	[sflag:s14] =	ssyncset.done $0x0  }
0x5a: {  	[sflag:s14] =	ssyncadd.s32 $0xFFFFD800  }
0x5b: {  	_ =	sfence.sel $0x180000  }
0x5c: {  	[bflag:$0x0] =	sbarrier.arrive $0xFFFF  }
0x5d: {  	p0 =	sne.s32 s0, $0x0;
	_ =	strace $0x90000047  }
0x5e: {  	s0 =	sadd.s32 @!p0 $0x100000, s1;
	[bflag:$0x2] =	sbarrier.arrive $0xFFFF  }
0x5f: {  	[sflag:s0] =	ssyncadd.tile.s32 @!p0 $0x1;
	_ =	shalt  }
.Lfunc_end2:
_tile_overlayer_lowered:
.L_overlay_start_2:
0x60: {  	(tag) =	ssettag $0x2  }
0x61: {  	s0 =	rddreg [dreg:$0x0];
	s2 =	stileid.u32  }
0x62: {  	s1 =	rddreg [dreg:$0x1];
	p0 =	sne.s32 s2, $0x0  }
0x63: {  	s3 =	rddreg [dreg:$0x2];
	[bflag:$0x3] =	sbarrier.arrive $0xFFFF;
	s2 =	simm.s32 @!p0 $0x1C03  }
0x64: {  	[timem:s3], [sflag:s2] =	dma.local @!p0 [hbm:s0], s1  }
0x65: {  	s0 =	simm.s32 @!p0 $0x3  }
0x66: {  	_ =	swait.ge @!p0 [sflag:s0], s1  }
0x67: {  	s1 =	ssub.s32 @!p0 $0x0, s1;
	[sflag:s0] =	ssyncset.done @!p0 $0x0  }
0x68: {  	[sflag:s0] =	ssyncadd.s32 @!p0 s1  }
0x69: {  	[bflag:$0x3] =	sbarrier.arrive $0xFFFF  }
0x6a: {  	_ =	shalt  }

// kernel: kernel.9.cloned.1.call-start
scs
__scs_entry_jumppad:
0x0: {  	(pc) =	sbr.rel $0x88, $3  }
0x1: {  	(tag) =	ssettag $0x0;
	lr =	simm.s32 $0x1  }
0x2: {  	[smem:$0x3F9B] =	sst lr;
	_ =	strace $0xD0000000  }
0x3: {  	_ = 	snop  }
0x4: {  	_ = 	snop  }
0x5: {  	_ = 	snop  }
0x6: {  	_ = 	snop  }
0x7: {  	_ = 	snop  }
__scs_overlays_trampoline_lowered:
0x8: {  	[smem:$0x3FAA] =	sst s0  }
0x9: {  	[smem:$0x3FAB] =	sst s1  }
0xa: {  	[smem:$0x3FAC] =	sst s2  }
0xb: {  	[smem:$0x3FAD] =	sst s3  }
0xc: {  	[smem:$0x3FAE] =	sst s4  }
0xd: {  	[smem:$0x3FAF] =	sst s5  }
0xe: {  	[smem:$0x3FB0] =	sst s6  }
0xf: {  	[smem:$0x3FB1] =	sst s7  }
0x10: {  	[smem:$0x3FB2] =	sst s8  }
0x11: {  	[smem:$0x3FB3] =	sst s9;
	s0 =	simm.s32 @!p0 $0x0  }
0x12: {  	s1 =	sld [smem:$0x3F99];
	s0 =	simm.s32 @p0 $0x1  }
0x13: {  	[smem:$0x3FB4] =	sst s0;
	s0 =	simm.s32 @!p1 $0x0  }
0x14: {  	s2 =	sld [smem:$0x3F98];
	s0 =	simm.s32 @p1 $0x1  }
0x15: {  	[smem:$0x3FB5] =	sst s0;
	s0 =	simm.s32 @!p2 $0x0  }
0x16: {  	s3 =	sld [smem:$0x3FDB];
	s0 =	simm.s32 @p2 $0x1  }
0x17: {  	s4 =	simm.s32 $0x1BF5;
	[smem:$0x3FB7] =	sst s0  }
0x18: {  	s0 =	sld [smem:$0x3F9A];
	_ =	swait.ge [sflag:s4], $0x0  }
0x19: {  	s7 =	sld [smem:$0x3F9B]  }
0x1a: {  	s8 =	sadd.s32 $0xFFFFE003, lr  }
0x1b: {  	s9 =	sadd.s32 $0xFFFFFEF7, lr;
	s5 =	simm.s32 $0xFFFFFFFF;
	p2 =	slt.u32 s8, $0xFFFFF086  }
0x1c: {  	p1 =	slt.u32 s9, $0xF7A;
	s5 =	simm.s32 @!p2 $0x0  }
0x1d: {  	s5 =	simm.s32 @p1 $0x1;
	p0 =	seq.s32 s7, s2  }
0x1e: {  	s7 =	smul.u32 @!p0 $0xF7A, s2;
	p2 =	seq.s32 @!p0 s5, $0x0  }
0x1f: {  	s9 =	smul.u32 $0xF7A, s1;
	s8 =	simm.s32 @!p0 $0x1BF5;
	p2 =	por !p2, p0  }
0x20: {  	[sflag:s8] =	ssyncset.s32 @!p0 $0xFFFFF086;
	s6 =	sadd.s32 @!p0 s3, s7;
	s7 =	simm.s32 @!p0 $0x108  }
0x21: {  	s3 =	sadd.s32 s3, s9;
	s6 =	sadd.s32 @!p0 $0x88, s6;
	s7 =	simm.s32 @p2 $0x1082  }
0x22: {  	[simem:s7], [sflag:s8] =	dma.local @!p0 [hbm:s6], $0xF7A  }
0x23: {  	s9 =	sor.u32 $0xD0000000, s2;
	s6 =	simm.s32 $0x108;
	_ =	swait.ge @!p0 [sflag:s8], $0x0  }
0x24: {  	s3 =	sadd.s32 $0x88, s3;
	s6 =	simm.s32 @!p1 $0x1082;
	[sflag:s4] =	ssyncset.s32 $0xFFFFF086  }
0x25: {  	[simem:s6], [sflag:s4] =	dma.local [hbm:s3], $0xF7A  }
0x26: {  	[smem:$0x3F9B] =	sst s1;
	(tag) =	ssettag s2;
	_ =	strace s9  }
0x27: {  	s1 =	sld [smem:$0x3FAB]  }
0x28: {  	s2 =	sld [smem:$0x3FAC]  }
0x29: {  	s4 =	sld [smem:$0x3FAE]  }
0x2a: {  	p0 =	seq.s32 s5, $0x0;
	s5 =	sld [smem:$0x3FAF]  }
0x2b: {  	s6 =	sld [smem:$0x3FB0]  }
0x2c: {  	s7 =	sld [smem:$0x3FB1]  }
0x2d: {  	s3 =	simm.s32 $0x108;
	s8 =	sld [smem:$0x3FB2]  }
0x2e: {  	s3 =	simm.s32 @!p0 $0x1082;
	s9 =	sld [smem:$0x3FB3]  }
0x2f: {  	lr =	sadd.s32 s0, s3;
	s0 =	sld [smem:$0x3FAA]  }
0x30: {  	s3 =	sld [smem:$0x3FAD]  }
0x31: {  	[smem:$0x3FB6] =	sst s10  }
0x32: {  	s10 =	sld [smem:$0x3FB4];
	_ =	sdelay $0x3  }
0x33: {  	p0 =	seq.s32 s10, $0x1;
	s10 =	sld [smem:$0x3FB6];
	_ =	sdelay $0x3  }
0x34: {  	[smem:$0x3FB6] =	sst s10  }
0x35: {  	s10 =	sld [smem:$0x3FB5];
	_ =	sdelay $0x3  }
0x36: {  	p1 =	seq.s32 s10, $0x1;
	s10 =	sld [smem:$0x3FB6];
	_ =	sdelay $0x3  }
0x37: {  	[smem:$0x3FB6] =	sst s10  }
0x38: {  	s10 =	sld [smem:$0x3FB7]  }
0x39: {  	_ = 	snop;
	(pc) =	sbr.ind lr, $3  }
0x3a: {  	_ = 	snop  }
0x3b: {  	_ = 	snop  }
0x3c: {  	p2 =	seq.s32 s10, $0x1;
	s10 =	sld [smem:$0x3FB6]  }
0x3d: {  	_ =	shalt  }
0x3e: {  	_ =	shalt  }
0x3f: {  	_ =	shalt  }
0x40: {  	_ =	shalt  }
0x41: {  	_ =	shalt  }
0x42: {  	_ =	shalt  }
0x43: {  	_ =	shalt  }
0x44: {  	_ =	shalt  }
0x45: {  	_ =	shalt  }
0x46: {  	_ =	shalt  }
0x47: {  	_ =	shalt  }
0x48: {  	_ =	shalt  }
0x49: {  	_ =	shalt  }
0x4a: {  	_ =	shalt  }
0x4b: {  	_ =	shalt  }
0x4c: {  	_ =	shalt  }
0x4d: {  	_ =	shalt  }
0x4e: {  	_ =	shalt  }
0x4f: {  	_ =	shalt  }
0x50: {  	_ =	shalt  }
0x51: {  	_ =	shalt  }
0x52: {  	_ =	shalt  }
0x53: {  	_ =	shalt  }
0x54: {  	_ =	shalt  }
0x55: {  	_ =	shalt  }
0x56: {  	_ =	shalt  }
0x57: {  	_ =	shalt  }
0x58: {  	_ =	shalt  }
0x59: {  	_ =	shalt  }
0x5a: {  	_ =	shalt  }
0x5b: {  	_ =	shalt  }
0x5c: {  	_ =	shalt  }
0x5d: {  	_ =	shalt  }
0x5e: {  	_ =	shalt  }
0x5f: {  	_ =	shalt  }
0x60: {  	_ =	shalt  }
0x61: {  	_ =	shalt  }
0x62: {  	_ =	shalt  }
0x63: {  	_ =	shalt  }
0x64: {  	_ =	shalt  }
0x65: {  	_ =	shalt  }
0x66: {  	_ =	shalt  }
0x67: {  	_ =	shalt  }
0x68: {  	_ =	shalt  }
0x69: {  	_ =	shalt  }
0x6a: {  	_ =	shalt  }
0x6b: {  	_ =	shalt  }
0x6c: {  	_ =	shalt  }
0x6d: {  	_ =	shalt  }
0x6e: {  	_ =	shalt  }
0x6f: {  	_ =	shalt  }
0x70: {  	_ =	shalt  }
0x71: {  	_ =	shalt  }
0x72: {  	_ =	shalt  }
0x73: {  	_ =	shalt  }
0x74: {  	_ =	shalt  }
0x75: {  	_ =	shalt  }
0x76: {  	_ =	shalt  }
0x77: {  	_ =	shalt  }
0x78: {  	_ =	shalt  }
0x79: {  	_ =	shalt  }
0x7a: {  	_ =	shalt  }
0x7b: {  	_ =	shalt  }
0x7c: {  	_ =	shalt  }
0x7d: {  	_ =	shalt  }
0x7e: {  	_ =	shalt  }
0x7f: {  	_ =	shalt  }
0x80: {  	_ =	shalt  }
0x81: {  	_ =	shalt  }
0x82: {  	_ =	shalt  }
0x83: {  	_ =	shalt  }
0x84: {  	_ =	shalt  }
0x85: {  	_ =	shalt  }
0x86: {  	_ =	shalt  }
0x87: {  	_ =	shalt  }
.Lfunc_end0:
.L_simem_size_0:
called_computation.1_lowered:
.L_overlay_start_0:
0x88: {  	s2 =	sld [smem:$0x3FD9]  }
0x89: {  	s3 =	sld [smem:$0x3FFE];
	_ =	sdelay $0x1  }
0x8a: {  	s1 =	srdreg.scid  }
0x8b: {  	s0 =	sand.u32 $0x1, s1  }
0x8c: {  	s17 =	sshll.u32 s0, $0xA;
	s2 =	sadd.s32 s3, s2  }
0x8d: {  	s2 =	sadd.s32 s2, s17  }
0x8e: {  	[smem:$0x3FC2] =	sst s2  }
0x8f: {  	_ = 	snop  }
0x90: {  	s2 =	sld [smem:$0x3FD0];
	(tm) =	ssettm $0x1  }
0x91: {  	s18 =	sld [smem:$0x3FFB];
	_ =	sdelay $0x3  }
0x92: {  	_ =	strace s18  }
0x93: {  	s3 =	sld [smem:$0x3FFC];
	_ =	sdelay $0x3  }
0x94: {  	_ =	strace s3  }
0x95: {  	s3 =	sld [smem:$0x3FFD];
	_ =	sdelay $0x3  }
0x96: {  	_ =	strace s3  }
0x97: {  	_ =	strace $0x8FFFFFFF  }
0x98: {  	s19 =	sld [smem:$0x3FDB];
	_ =	sdelay $0x1  }
0x99: {  	s4 =	simm.s32 $_scs_section_size  }
0x9a: {  	s5 =	simm.s32 $_size__tile_overlayer_lowered;
	s6 =	simm.s32 $_tile_overlayer_lowered  }
0x9b: {  	s22 =	simm.s32 $0x1BFF;
	s21 =	sshll.u32 s6, $0x1;
	s3 =	sadd.s32 s4, s19  }
0x9c: {  	s7 =	simm.s32 $0x0;
	s20 =	sshll.u32 s5, $0x1;
	s5 =	sadd.s32 s21, s3  }
0x9d: {  	[timem:s7], [sflag:s22] =	dma.local [hbm:s5], s20  }
0x9e: {  	_ =	swait.ge [sflag:s22], s20  }
0x9f: {  	s4 =	ssub.s32 $0x0, s20;
	[sflag:s22] =	ssyncset.done $0x0  }
0xa0: {  	[sflag:s22] =	ssyncadd.s32 s4;
	_ =	sdelay $0x1  }
0xa1: {  	s23 =	simm.s32 $0x1B8B  }
0xa2: {  	_ =	swait.ge [sflag:s23], $0x1  }
0xa3: {  	[sflag:s23] =	ssyncset.done $0x0  }
0xa4: {  	s25 =	simm.s32 $0x1B8E;
	s24 =	sld [smem:$0x3FFE];
	[sflag:s23] =	ssyncadd.s32 $0xFFFFFFFF  }
0xa5: {  	s26 =	simm.s32 $execute0_lowered;
	[smem:$0x3FD2] =	sst s25  }
0xa6: {  	s5 =	sshll.u32 s26, $0x1;
	_ =	strace $0x80000049;
	[dreg:$0x1] =	wrdreg $0xFFFFFFFF  }
0xa7: {  	s28 =	simm.s32 $_size_execute0_lowered;
	s3 =	sadd.s32 s3, s5;
	[dreg:$0x0] =	wrdreg $0x0  }
0xa8: {  	s5 =	sshll.u32 s28, $0x1;
	[dreg:$0x2] =	wrdreg s3  }
0xa9: {  	[dreg:$0x3] =	wrdreg s5  }
0xaa: {  	[dreg:$0x4] =	wrdreg $0xC0  }
0xab: {  	_ =	task [dreg:s7], $0x5FFFF  }
0xac: {  	[dreg:$0x1] =	wrdreg $0xFFFFFFFF  }
0xad: {  	[dreg:$0x0] =	wrdreg $0x60  }
0xae: {  	[dreg:$0x2] =	wrdreg s24  }
0xaf: {  	[dreg:$0x3] =	wrdreg s2  }
0xb0: {  	[dreg:$0x4] =	wrdreg $0x90000  }
0xb1: {  	[dreg:$0x5] =	wrdreg $0x9  }
0xb2: {  	_ =	task.clear_ibuf [dreg:s7], $0x6FFFF;
	_ =	strace $0x90000049  }
0xb3: {  	s29 =	simm.s32 $0x9;
	_ =	strace $0x8000004B  }
0xb4: {  	_ =	swait.ge [sflag:s29], $0x1  }
0xb5: {  	[sflag:s29] =	ssyncadd.s32 $0xFFFFFFFF  }
0xb6: {  	_ =	strace $0x9000004B  }
0xb7: {  	_ =	sfence  }
0xb8: {  	s30 =	sld [smem:$0x0];
	_ =	sdelay $0x2  }
0xb9: {  	s31 =	sshll.u32 s1, $0xD;
	s1 =	sshrl.u32 s1, $0x2  }
0xba: {  	s3 =	sand.u32 $0x4000, s31;
	s1 =	sadd.s32 s1, s30  }
0xbb: {  	s0 =	sor.u32 s3, s0;
	s1 =	sshll.u32 s1, $0x11  }
0xbc: {  	s0 =	sor.u32 s1, s0  }
0xbd: {  	s0 =	sadd.s32 $0x8F2B, s0  }
0xbe: {  	[sflag:s0] =	ssyncadd.remote.s32 $0x1  }
0xbf: {  	_ =	sfence.sel $0xFFFF  }
0xc0: {  	[dreg:$0x0] =	wrdreg $0xFFFFFFFF;
	(pc) =	sbr.abs _section_cstart, $3  }
0xc1: {  	[dreg:$0x1] =	wrdreg $0xFFFFFFFF  }
0xc2: {  	_ =	task.clear_ibuf [dreg:s7], $0x2FFFF;
	_ =	strace $0x9FFFFFFF  }
0xc3: {  	(tm) =	ssettm $0x7FFFFFFF  }
tec
execute0_lowered:
.L_overlay_start_1:
0x0: {  	(tag) =	ssettag $0x1  }
0x1: {  	s4 =	rddreg [dreg:$0x0]  }
0x2: {  	s5 =	rddreg [dreg:$0x1];
	s0 =	stileid.u32  }
0x3: {  	s1 =	srdreg.scid;
	s2 =	rddreg [dreg:$0x2];
	s3 =	simm.s32 $0x0  }
0x4: {  	s13 =	simm.s32 $0x5000;
	s14 =	simm.s32 $0x3;
	s15 =	simm.s32 $0x2800  }
0x5: {  	s16 =	simm.s32 $0x80;
	s17 =	simm.s32 $0x1;
	s6 =	smul.u32 $0x500, s0  }
0x6: {  	s7 =	sand.u32 $0x1, s1;
	s1 =	rddreg [dreg:$0x3];
	s9 =	smul.u32 $0x50000, s0  }
0x7: {  	[smem:$0x7FF] =	sst s3;
	s19 =	smul.u32 $0x2800, s0;
	s20 =	sshll.u32 s0, $0x6  }
0x8: {  	s8 =	smul.u32 $0x28000, s7;
	_ =	strace $0x8000004A;
	s7 =	ssub.s32 $0x2, s7  }
0x9: {  	s20 =	sor.u32 $0x1C03, s20;
	s10 =	sadd.s32 s6, s4;
	s31 =	sshrl.u32 s7, $0x1  }
0xa: {  	s9 =	sshrl.u32 s9, $0x2;
	s5 =	sadd.s32 s5, s6;
	s8 =	sadd.s32 s8, s4  }
0xb: {  	s11 =	ssub.s32 s7, s31;
	s4 =	sadd.s32 s9, s2;
	s6 =	sadd.s32 $0xE00, s10  }
0xc: {  	s7 =	sadd.s32 $0x5E00, s8;
	s18 =	sadd.s32 $0x55E00, s8;
	s8 =	smax.u32 s11, $0x1  }
0xd: {  	s9 =	sadd.s32 $0x4000, s4;
	s10 =	sadd.s32 $0x8000, s4;
	s11 =	sadd.s32 $0xC000, s4  }
0xe: {  	v0 =	vimm.f32 $0.0e+00;
	s12 =	sadd.s32 $0x10000, s4;
	s18 =	sadd.s32 s19, s18;
	s19 =	simm.s32 $0x2  }
.LBB2_1:
0xf: {  	s21 =	simm.s32 $0x0;
	s22 =	simm.s32 $0x200  }
.LBB2_2:
0x10: {  	p0 =	sne.s32 s22, $0xFE00;
	[tilespmem:s21+$0x5070] =	vst v0  }
0x11: {  	[tilespmem:s21+$0x5000] =	vst v0  }
0x12: {  	[tilespmem:s21+$0x5010] =	vst v0  }
.Ltmp0:
0x13: {  	[tilespmem:s21+$0x5020] =	vst v0;
	(pc) =	sbr.rel @p0 .LBB2_2-.Ltmp0, $4  }
0x14: {  	[tilespmem:s21+$0x5030] =	vst v0  }
0x15: {  	[tilespmem:s21+$0x5040] =	vst v0  }
0x16: {  	[tilespmem:s21+$0x5050] =	vst v0  }
0x17: {  	[tilespmem:s21+$0x5060] =	vst v0;
	s21 =	sshra.s32 s22, $0x2;
	s22 =	sadd.s32 $0x200, s22  }
0x18: {  	[tilespmem:s21+$0x5070] =	vst v0  }
0x19: {  	[tilespmem:s21+$0x5000] =	vst v0  }
0x1a: {  	[tilespmem:s21+$0x5010] =	vst v0  }
0x1b: {  	[tilespmem:s21+$0x5020] =	vst v0  }
0x1c: {  	[tilespmem:s21+$0x5030] =	vst v0  }
0x1d: {  	[tilespmem:s21+$0x5040] =	vst v0  }
0x1e: {  	[tilespmem:s21+$0x5050] =	vst v0  }
0x1f: {  	[tilespmem:s21+$0x5060] =	vst v0  }
0x20: {  	[spmem:s4] =	stream.linear.scatter [tilespmem:s13], [sflag:$0x3], $0x4000, $0x38;
	[tilespmem:$0x1D000] =	vst v63  }
0x21: {  	_ =	swait.ge [sflag:s14], $0x4000  }
0x22: {  	[sflag:s14] =	ssyncset.done $0x0  }
0x23: {  	[sflag:s14] =	ssyncadd.s32 $0xFFFFC000  }
0x24: {  	[spmem:s9] =	stream.linear.scatter [tilespmem:s13], [sflag:$0x3], $0x4000, $0x38;
	[tilespmem:$0x1D000] =	vst v63  }
0x25: {  	_ =	swait.ge [sflag:s14], $0x4000  }
0x26: {  	[sflag:s14] =	ssyncset.done $0x0  }
0x27: {  	[sflag:s14] =	ssyncadd.s32 $0xFFFFC000  }
0x28: {  	[spmem:s10] =	stream.linear.scatter [tilespmem:s13], [sflag:$0x3], $0x4000, $0x38;
	[tilespmem:$0x1D000] =	vst v63  }
0x29: {  	_ =	swait.ge [sflag:s14], $0x4000  }
0x2a: {  	[sflag:s14] =	ssyncset.done $0x0  }
0x2b: {  	[sflag:s14] =	ssyncadd.s32 $0xFFFFC000  }
0x2c: {  	[spmem:s11] =	stream.linear.scatter [tilespmem:s13], [sflag:$0x3], $0x4000, $0x38;
	[tilespmem:$0x1D000] =	vst v63  }
0x2d: {  	_ =	swait.ge [sflag:s14], $0x4000  }
0x2e: {  	[sflag:s14] =	ssyncset.done $0x0  }
0x2f: {  	[sflag:s14] =	ssyncadd.s32 $0xFFFFC000  }
0x30: {  	[spmem:s12] =	stream.linear.scatter [tilespmem:s13], [sflag:$0x3], $0x4000, $0x38;
	[tilespmem:$0x1D000] =	vst v63  }
0x31: {  	_ =	swait.ge [sflag:s14], $0x4000  }
0x32: {  	[sflag:s14] =	ssyncset.done $0x0  }
0x33: {  	[sflag:s14] =	ssyncadd.s32 $0xFFFFC000  }
0x34: {  	s29 =	simm.s32 $0x0;
	[bflag:$0x0] =	sbarrier.arrive $0xFFFF  }
0x35: {  	[tilespmem:s29], [sflag:$0x3] =	stream.linear.gather [hbm4b:s5+s29], $0x2780, $0x38;
	[tilespmem:$0x1D000] =	vst v63  }
0x36: {  	_ =	swait.ge [sflag:s14], $0x2780  }
0x37: {  	[sflag:s14] =	ssyncset.done $0x0  }
0x38: {  	[sflag:s14] =	ssyncadd.s32 $0xFFFFD880  }
0x39: {  	[tilespmem:s15], [sflag:$0x3] =	stream.linear.gather [hbm4b:s6+s29], $0x2780, $0x38;
	[tilespmem:$0x1D000] =	vst v63  }
0x3a: {  	_ =	swait.ge [sflag:s14], $0x2780  }
0x3b: {  	[sflag:s14] =	ssyncset.done $0x0  }
0x3c: {  	s30 =	simm.s32 $0x0;
	[sflag:s14] =	ssyncadd.s32 $0xFFFFD880  }
0x3d: {  	[tilespmem:s13], [sflag:$0x1] =	stream.indirect.gather [hbm4b:s7+s16], $0x80, s30, s16, $0xb8;
	[tilespmem:$0x1D000] =	vst v63  }
0x3e: {  	_ =	swait.ge [sflag:s17], $0x4000  }
0x3f: {  	[sflag:s17] =	ssyncset.done $0x0  }
0x40: {  	s31 =	simm.s32 $0x2800;
	[sflag:s17] =	ssyncadd.s32 $0xFFFFC000  }
0x41: {  	[spmem:s2] =	stream.indirect.scatter.add.f32 [tilespmem:s13], [sflag:$0x2], $0x80, s31, s16, $0xb8;
	[tilespmem:$0x1D000] =	vst v63  }
0x42: {  	_ =	swait.ge [sflag:s19], $0x4000  }
0x43: {  	s21 =	simm.s32 $0x200;
	s22 =	simm.s32 $0x400;
	[sflag:s19] =	ssyncset.done $0x0  }
.LBB2_4:
0x44: {  	s23 =	sshra.s32 s21, $0x2  }
0x45: {  	[sflag:s19] =	ssyncadd.s32 $0xFFFFC000;
	s21 =	smov.u32 s22;
	s24 =	sadd.s32 $0x200, s22  }
0x46: {  	[tilespmem:s13], [sflag:$0x1] =	stream.indirect.gather [hbm4b:s7+s16], $0x80, s23, s16, $0xb8;
	[tilespmem:$0x1D000] =	vst v63  }
0x47: {  	p0 =	sne.s32 s22, $0x9C00;
	_ =	swait.ge [sflag:s17], $0x4000  }
.Ltmp1:
0x48: {  	[sflag:s17] =	ssyncset.done $0x0;
	(pc) =	sbr.rel @p0 .LBB2_4-.Ltmp1, $4  }
0x49: {  	s22 =	sadd.s32 $0x2800, s23;
	[sflag:s17] =	ssyncadd.s32 $0xFFFFC000  }
0x4a: {  	[spmem:s2] =	stream.indirect.scatter.add.f32 [tilespmem:s13], [sflag:$0x2], $0x80, s22, s16, $0xb8;
	[tilespmem:$0x1D000] =	vst v63  }
0x4b: {  	_ =	swait.ge [sflag:s19], $0x4000  }
0x4c: {  	s22 =	smov.u32 s24;
	[sflag:s19] =	ssyncset.done $0x0  }
0x4d: {  	s21 =	sshra.s32 s21, $0x2;
	[sflag:s19] =	ssyncadd.s32 $0xFFFFC000  }
0x4e: {  	[tilespmem:s13], [sflag:$0x1] =	stream.indirect.gather [hbm4b:s7+s16], $0x80, s21, s16, $0xb8;
	[tilespmem:$0x1D000] =	vst v63  }
0x4f: {  	_ =	swait.ge [sflag:s17], $0x4000  }
0x50: {  	[sflag:s17] =	ssyncset.done $0x0  }
0x51: {  	s21 =	sadd.s32 $0x2800, s21;
	[sflag:s17] =	ssyncadd.s32 $0xFFFFC000  }
0x52: {  	[spmem:s2] =	stream.indirect.scatter.add.f32 [tilespmem:s13], [sflag:$0x2], $0x80, s21, s16, $0xb8;
	[tilespmem:$0x1D000] =	vst v63  }
0x53: {  	_ =	swait.ge [sflag:s19], $0x4000  }
0x54: {  	s3 =	sadd.s32 $0x1, s3;
	[sflag:s19] =	ssyncset.done $0x0  }
0x55: {  	p0 =	sne.s32 s3, s8;
	[sflag:s19] =	ssyncadd.s32 $0xFFFFC000  }
.Ltmp2:
0x56: {  	s31 =	sshrl.u32 s4, $0x3;
	[bflag:$0x0] =	sbarrier.arrive $0xFFFF;
	(pc) =	sbr.rel @p0 .LBB2_1-.Ltmp2, $4  }
0x57: {  	[hbm:s18], [sflag:s20] =	dma.local [spmem:s31], $0x2800  }
0x58: {  	_ =	swait.ge [sflag:s14], $0x2800  }
0x59: {  	[sflag:s14] =	ssyncset.done $0x0  }
0x5a: {  	[sflag:s14] =	ssyncadd.s32 $0xFFFFD800  }
0x5b: {  	_ =	sfence.sel $0x180000  }
0x5c: {  	[bflag:$0x0] =	sbarrier.arrive $0xFFFF  }
0x5d: {  	p0 =	sne.s32 s0, $0x0;
	_ =	strace $0x9000004A  }
0x5e: {  	s0 =	sadd.s32 @!p0 $0x100000, s1;
	[bflag:$0x2] =	sbarrier.arrive $0xFFFF  }
0x5f: {  	[sflag:s0] =	ssyncadd.tile.s32 @!p0 $0x1;
	_ =	shalt  }
.Lfunc_end2:
_tile_overlayer_lowered:
.L_overlay_start_2:
0x60: {  	(tag) =	ssettag $0x2  }
0x61: {  	s0 =	rddreg [dreg:$0x0];
	s2 =	stileid.u32  }
0x62: {  	s1 =	rddreg [dreg:$0x1];
	p0 =	sne.s32 s2, $0x0  }
0x63: {  	s3 =	rddreg [dreg:$0x2];
	[bflag:$0x3] =	sbarrier.arrive $0xFFFF;
	s2 =	simm.s32 @!p0 $0x1C03  }
0x64: {  	[timem:s3], [sflag:s2] =	dma.local @!p0 [hbm:s0], s1  }
0x65: {  	s0 =	simm.s32 @!p0 $0x3  }
0x66: {  	_ =	swait.ge @!p0 [sflag:s0], s1  }
0x67: {  	s1 =	ssub.s32 @!p0 $0x0, s1;
	[sflag:s0] =	ssyncset.done @!p0 $0x0  }
0x68: {  	[sflag:s0] =	ssyncadd.s32 @!p0 s1  }
0x69: {  	[bflag:$0x3] =	sbarrier.arrive $0xFFFF  }
0x6a: {  	_ =	shalt  }

</sc_bundles>
